<compile_context>
chip_gen: v7x
topology: tpu7x:2x2x1
jax: 0.10.2.dev20260603
libtpu: 0.0.44.dev20260713+nightly
codegen_flags: <defaults>
</compile_context>

<pallas_src>
import functools
import jax
import jax.numpy as jnp
from jax import lax
from jax.experimental import pallas as pl
from jax.experimental.pallas import tpu as pltpu
from jax.experimental.pallas import tpu_sc as plsc

_ROWS = 16384
_COLS = 1024
_BLK = 1024
_HEAD = 8192
_TAIL = _ROWS - _HEAD
_HB = _HEAD // _BLK
_TB = _TAIL // _BLK
_NC, _NS, _L = 1, 16, 16
_NW = _NC * _NS
_CHUNK = _TAIL // _NW
_TBL = 64
_TPAD = 128

_sc_mesh = plsc.VectorSubcoreMesh(
    core_axis_name="c", subcore_axis_name="s", num_cores=_NC, num_subcores=_NS
)


@functools.partial(
    pl.kernel,
    out_type=[
        jax.ShapeDtypeStruct((_TAIL,), jnp.float32),
        jax.ShapeDtypeStruct((_TAIL,), jnp.float32),
    ],
    mesh=_sc_mesh,
    scratch_types=[
        pltpu.VMEM((_CHUNK,), jnp.int32),
        pltpu.VMEM((2 * _TBL,), jnp.float32),
        pltpu.VMEM((_CHUNK,), jnp.float32),
        pltpu.VMEM((_CHUNK,), jnp.float32),
        pltpu.SemaphoreType.DMA,
        pltpu.SemaphoreType.DMA,
    ],
    compiler_params=pltpu.CompilerParams(needs_layout_passes=False),
)
def _sc_gather(t_hbm, tab_hbm, a_hbm, b_hbm, t_v, tab_v, a_v, b_v, sem1, sem2):
    wid = lax.axis_index("s") * _NC + lax.axis_index("c")
    base = wid * _CHUNK
    cp_t = pltpu.async_copy(t_hbm.at[pl.ds(_HEAD + base, _CHUNK)], t_v, sem1)
    cp_tab = pltpu.async_copy(tab_hbm, tab_v, sem2)
    cp_t.wait()
    cp_tab.wait()

    for i in range(_CHUNK // _L):
        idx = t_v[pl.ds(i * _L, _L)]
        a_v[pl.ds(i * _L, _L)] = plsc.load_gather(tab_v, [idx])
        b_v[pl.ds(i * _L, _L)] = plsc.load_gather(tab_v, [idx + _TBL])

    cp_a = pltpu.async_copy(a_v, a_hbm.at[pl.ds(base, _CHUNK)], sem1)
    cp_b = pltpu.async_copy(b_v, b_hbm.at[pl.ds(base, _CHUNK)], sem2)
    cp_a.wait()
    cp_b.wait()


def _head_kernel(t_ref, sa_ref, sb_ref, x0_ref, eps_ref, o_ref):
    t_blk = t_ref[0, 0, :]
    cols = jax.lax.broadcasted_iota(jnp.int32, (t_blk.shape[0], _TPAD), 1)
    onehot = t_blk[:, None] == cols
    a = jnp.sum(jnp.where(onehot, sa_ref[0, :][None, :], 0.0), axis=1)
    b = jnp.sum(jnp.where(onehot, sb_ref[0, :][None, :], 0.0), axis=1)
    o_ref[...] = a[:, None] * x0_ref[...] + b[:, None] * eps_ref[...]


def _tail_kernel(part_ref, a_ref, b_ref, x0_ref, eps_ref, o_ref):
    del part_ref
    a = a_ref[0, 0, :]
    b = b_ref[0, 0, :]
    o_ref[...] = a[:, None] * x0_ref[...] + b[:, None] * eps_ref[...]


def kernel(x0, eps, t, alpha_hat):
    t32 = t.astype(jnp.int32)
    nb = alpha_hat.shape[0]
    tab_sc = jnp.concatenate(
        [
            jnp.pad(jnp.sqrt(alpha_hat), (0, _TBL - nb)),
            jnp.pad(jnp.sqrt(1.0 - alpha_hat), (0, _TBL - nb)),
        ]
    )
    sa_tc = jnp.pad(jnp.sqrt(alpha_hat), (0, _TPAD - nb)).reshape(1, _TPAD)
    sb_tc = jnp.pad(jnp.sqrt(1.0 - alpha_hat), (0, _TPAD - nb)).reshape(1, _TPAD)

    t3 = t32.reshape(_ROWS // _BLK, 1, _BLK)

    a, b = _sc_gather(t32, tab_sc)
    a3 = a.reshape(_TB, 1, _BLK)
    b3 = b.reshape(_TB, 1, _BLK)

    partial_out = pl.pallas_call(
        _head_kernel,
        grid=(_HB,),
        in_specs=[
            pl.BlockSpec((1, 1, _BLK), lambda i: (i, 0, 0)),
            pl.BlockSpec((1, _TPAD), lambda i: (0, 0)),
            pl.BlockSpec((1, _TPAD), lambda i: (0, 0)),
            pl.BlockSpec((_BLK, _COLS), lambda i: (i, 0)),
            pl.BlockSpec((_BLK, _COLS), lambda i: (i, 0)),
        ],
        out_specs=pl.BlockSpec((_BLK, _COLS), lambda i: (i, 0)),
        out_shape=jax.ShapeDtypeStruct((_ROWS, _COLS), jnp.float32),
    )(t3, sa_tc, sb_tc, x0, eps)

    return pl.pallas_call(
        _tail_kernel,
        grid=(_TB,),
        in_specs=[
            pl.BlockSpec(memory_space=pl.ANY),
            pl.BlockSpec((1, 1, _BLK), lambda j: (j, 0, 0)),
            pl.BlockSpec((1, 1, _BLK), lambda j: (j, 0, 0)),
            pl.BlockSpec((_BLK, _COLS), lambda j: (_HB + j, 0)),
            pl.BlockSpec((_BLK, _COLS), lambda j: (_HB + j, 0)),
        ],
        out_specs=pl.BlockSpec((_BLK, _COLS), lambda j: (_HB + j, 0)),
        out_shape=jax.ShapeDtypeStruct((_ROWS, _COLS), jnp.float32),
        input_output_aliases={0: 0},
    )(partial_out, a3, b3, x0, eps)

# --- scband reference (transcript-rebuilt; emitter-appended) ---
"""Pipeline reference for scband-diffusion-process-69595650064389 (READ-ONLY COPY).

The authoritative reference and input builder live on the scoring server;
editing this copy changes nothing except your own understanding.
"""

import jax, jax.numpy as jnp
import numpy as np

NB_TIMESTEPS = 50
START = 0.0001
END = 0.05


def setup_inputs(seed: int = 0) -> dict:
    key = jax.random.key(seed)
    k1, k2, k3 = jax.random.split(key, 3)
    x0 = jax.random.normal(k1, (16384, 1024), dtype=jnp.float32)
    eps = jax.random.normal(k2, (16384, 1024), dtype=jnp.float32)
    t = jax.random.randint(k3, (16384,), 0, NB_TIMESTEPS, dtype=jnp.int64)
    # Buffers derived from init kwargs (no learnable params)
    beta = jnp.linspace(START, END, NB_TIMESTEPS, dtype=jnp.float32)
    alpha = 1.0 - beta
    alpha_hat = jnp.cumprod(alpha, axis=0)
    return {"x0": x0, "eps": eps, "t": t, "alpha_hat": alpha_hat}


def reference(x0, eps, t, alpha_hat):
    # sample_q: forward diffusion process q(x_t | x_0)
    # gather (embedding-lookup style) of per-timestep scalar alpha_hat[t]
    alpha_hat_t = jnp.take(alpha_hat, t, axis=0)[:, None]  # unsqueeze_as (batch, 1)
    return jnp.sqrt(alpha_hat_t) * x0 + jnp.sqrt(1.0 - alpha_hat_t) * eps

if __name__ == "__main__":
    import jax
    _d = setup_inputs()
    print(jax.jit(kernel)(*tuple(_d.values())))

</pallas_src>

<mosaic_0001>
#map = affine_map<(d0, d1) -> (0)>
module attributes {stable_mosaic.version = 14 : i64} {
  func.func @_sc_gather(%arg0: i32, %arg1: i32, %arg2: memref<16384xi32, #tpu.memory_space<hbm>>, %arg3: memref<128xf32, #tpu.memory_space<hbm>>, %arg4: memref<8192xf32, #tpu.memory_space<hbm>>, %arg5: memref<8192xf32, #tpu.memory_space<hbm>>, %arg6: memref<512xi32, #tpu.memory_space<vmem>>, %arg7: memref<128xf32, #tpu.memory_space<vmem>>, %arg8: memref<512xf32, #tpu.memory_space<vmem>>, %arg9: memref<512xf32, #tpu.memory_space<vmem>>, %arg10: memref<!tpu.dma_semaphore, #tpu.memory_space<semaphore_mem>>, %arg11: memref<!tpu.dma_semaphore, #tpu.memory_space<semaphore_mem>>) attributes {dimension_semantics = [#tpu.dimension_semantics<core_parallel>, #tpu.dimension_semantics<subcore_parallel>], iteration_bounds = array<i64: 1, 16>, scalar_prefetch = 0 : i64, scratch_operands = 6 : i64, tpu.core_type = #tpu.core_type<sc_vector_subcore>, window_params = [{transform_indices = #map}, {transform_indices = #map}, {transform_indices = #map}, {transform_indices = #map}]} {
    %mul3A = arith.constant 1 : i32
    %mul3A_0 = arith.muli %arg1, %mul3A : i32
    %add3A = arith.addi %mul3A_0, %arg0 : i32
    %mul3A_1 = arith.constant 512 : i32
    %mul3A_2 = arith.muli %add3A, %mul3A_1 : i32
    %add3A_3 = arith.constant 8192 : i32
    %add3A_4 = arith.addi %add3A_3, %mul3A_2 : i32
    %dma_start3A = tpu.memref_slice %arg2[%add3A_4] : memref<16384xi32, #tpu.memory_space<hbm>> -> memref<512xi32, #tpu.memory_space<hbm>>
    %dma_start3A_5 = tpu.memref_slice %arg2[%add3A_4] : memref<16384xi32, #tpu.memory_space<hbm>> -> memref<512xi32, #tpu.memory_space<hbm>>
    tpu.enqueue_dma source(%dma_start3A_5 : memref<512xi32, #tpu.memory_space<hbm>>) target(%arg6 : memref<512xi32, #tpu.memory_space<vmem>>) target_semaphore(%arg10 : memref<!tpu.dma_semaphore, #tpu.memory_space<semaphore_mem>>)
    tpu.enqueue_dma source(%arg3 : memref<128xf32, #tpu.memory_space<hbm>>) target(%arg7 : memref<128xf32, #tpu.memory_space<vmem>>) target_semaphore(%arg11 : memref<!tpu.dma_semaphore, #tpu.memory_space<semaphore_mem>>)
    %dma_wait3A = tpu.memref_slice %arg2[%add3A_4] : memref<16384xi32, #tpu.memory_space<hbm>> -> memref<512xi32, #tpu.memory_space<hbm>>
    %dma_wait3A_6 = tpu.memref_slice %arg2[%add3A_4] : memref<16384xi32, #tpu.memory_space<hbm>> -> memref<512xi32, #tpu.memory_space<hbm>>
    tpu.wait_dma2 semaphore(%arg10 : memref<!tpu.dma_semaphore, #tpu.memory_space<semaphore_mem>>) src(%dma_wait3A_6 : memref<512xi32, #tpu.memory_space<hbm>>) dst(%arg6 : memref<512xi32, #tpu.memory_space<vmem>>)
    tpu.wait_dma2 semaphore(%arg11 : memref<!tpu.dma_semaphore, #tpu.memory_space<semaphore_mem>>) src(%arg3 : memref<128xf32, #tpu.memory_space<hbm>>) dst(%arg7 : memref<128xf32, #tpu.memory_space<vmem>>)
    %get3A = arith.constant 0 : index
    %get3A_7 = tpu.vector_load %arg6[%get3A] {strides = array<i32>} : memref<512xi32, #tpu.memory_space<vmem>>, vector<16xi32>,
    %gather3A = tpu.vector_load_idx %arg7[%get3A_7] : memref<128xf32, #tpu.memory_space<vmem>>[vector<16xi32>], vector<16xf32>,
    %swap3A = arith.constant 0 : index
    %swap3A_8 = tpu.vector_load %arg8[%swap3A] {strides = array<i32>} : memref<512xf32, #tpu.memory_space<vmem>>, vector<16xf32>,
    tpu.vector_store %arg8[%swap3A], %gather3A {strides = array<i32>} : memref<512xf32, #tpu.memory_space<vmem>>, vector<16xf32>,
    %add3A_9 = arith.constant 64 : i32
    %add3A_10 = vector.broadcast %add3A_9 : i32 to vector<16xi32>
    %add3A_11 = arith.addi %get3A_7, %add3A_10 : vector<16xi32>
    %gather3A_12 = tpu.vector_load_idx %arg7[%add3A_11] : memref<128xf32, #tpu.memory_space<vmem>>[vector<16xi32>], vector<16xf32>,
    %swap3A_13 = arith.constant 0 : index
    %swap3A_14 = tpu.vector_load %arg9[%swap3A_13] {strides = array<i32>} : memref<512xf32, #tpu.memory_space<vmem>>, vector<16xf32>,
    tpu.vector_store %arg9[%swap3A_13], %gather3A_12 {strides = array<i32>} : memref<512xf32, #tpu.memory_space<vmem>>, vector<16xf32>,
    %get3A_15 = arith.constant 16 : index
    %get3A_16 = tpu.vector_load %arg6[%get3A_15] {strides = array<i32>} : memref<512xi32, #tpu.memory_space<vmem>>, vector<16xi32>,
    %gather3A_17 = tpu.vector_load_idx %arg7[%get3A_16] : memref<128xf32, #tpu.memory_space<vmem>>[vector<16xi32>], vector<16xf32>,
    %swap3A_18 = arith.constant 16 : index
    %swap3A_19 = tpu.vector_load %arg8[%swap3A_18] {strides = array<i32>} : memref<512xf32, #tpu.memory_space<vmem>>, vector<16xf32>,
    tpu.vector_store %arg8[%swap3A_18], %gather3A_17 {strides = array<i32>} : memref<512xf32, #tpu.memory_space<vmem>>, vector<16xf32>,
    %add3A_20 = arith.constant 64 : i32
    %add3A_21 = vector.broadcast %add3A_20 : i32 to vector<16xi32>
    %add3A_22 = arith.addi %get3A_16, %add3A_21 : vector<16xi32>
    %gather3A_23 = tpu.vector_load_idx %arg7[%add3A_22] : memref<128xf32, #tpu.memory_space<vmem>>[vector<16xi32>], vector<16xf32>,
    %swap3A_24 = arith.constant 16 : index
    %swap3A_25 = tpu.vector_load %arg9[%swap3A_24] {strides = array<i32>} : memref<512xf32, #tpu.memory_space<vmem>>, vector<16xf32>,
    tpu.vector_store %arg9[%swap3A_24], %gather3A_23 {strides = array<i32>} : memref<512xf32, #tpu.memory_space<vmem>>, vector<16xf32>,
    %get3A_26 = arith.constant 32 : index
    %get3A_27 = tpu.vector_load %arg6[%get3A_26] {strides = array<i32>} : memref<512xi32, #tpu.memory_space<vmem>>, vector<16xi32>,
    %gather3A_28 = tpu.vector_load_idx %arg7[%get3A_27] : memref<128xf32, #tpu.memory_space<vmem>>[vector<16xi32>], vector<16xf32>,
    %swap3A_29 = arith.constant 32 : index
    %swap3A_30 = tpu.vector_load %arg8[%swap3A_29] {strides = array<i32>} : memref<512xf32, #tpu.memory_space<vmem>>, vector<16xf32>,
    tpu.vector_store %arg8[%swap3A_29], %gather3A_28 {strides = array<i32>} : memref<512xf32, #tpu.memory_space<vmem>>, vector<16xf32>,
    %add3A_31 = arith.constant 64 : i32
    %add3A_32 = vector.broadcast %add3A_31 : i32 to vector<16xi32>
    %add3A_33 = arith.addi %get3A_27, %add3A_32 : vector<16xi32>
    %gather3A_34 = tpu.vector_load_idx %arg7[%add3A_33] : memref<128xf32, #tpu.memory_space<vmem>>[vector<16xi32>], vector<16xf32>,
    %swap3A_35 = arith.constant 32 : index
    %swap3A_36 = tpu.vector_load %arg9[%swap3A_35] {strides = array<i32>} : memref<512xf32, #tpu.memory_space<vmem>>, vector<16xf32>,
    tpu.vector_store %arg9[%swap3A_35], %gather3A_34 {strides = array<i32>} : memref<512xf32, #tpu.memory_space<vmem>>, vector<16xf32>,
    %get3A_37 = arith.constant 48 : index
    %get3A_38 = tpu.vector_load %arg6[%get3A_37] {strides = array<i32>} : memref<512xi32, #tpu.memory_space<vmem>>, vector<16xi32>,
    %gather3A_39 = tpu.vector_load_idx %arg7[%get3A_38] : memref<128xf32, #tpu.memory_space<vmem>>[vector<16xi32>], vector<16xf32>,
    %swap3A_40 = arith.constant 48 : index
    %swap3A_41 = tpu.vector_load %arg8[%swap3A_40] {strides = array<i32>} : memref<512xf32, #tpu.memory_space<vmem>>, vector<16xf32>,
    tpu.vector_store %arg8[%swap3A_40], %gather3A_39 {strides = array<i32>} : memref<512xf32, #tpu.memory_space<vmem>>, vector<16xf32>,
    %add3A_42 = arith.constant 64 : i32
    %add3A_43 = vector.broadcast %add3A_42 : i32 to vector<16xi32>
    %add3A_44 = arith.addi %get3A_38, %add3A_43 : vector<16xi32>
    %gather3A_45 = tpu.vector_load_idx %arg7[%add3A_44] : memref<128xf32, #tpu.memory_space<vmem>>[vector<16xi32>], vector<16xf32>,
    %swap3A_46 = arith.constant 48 : index
    %swap3A_47 = tpu.vector_load %arg9[%swap3A_46] {strides = array<i32>} : memref<512xf32, #tpu.memory_space<vmem>>, vector<16xf32>,
    tpu.vector_store %arg9[%swap3A_46], %gather3A_45 {strides = array<i32>} : memref<512xf32, #tpu.memory_space<vmem>>, vector<16xf32>,
    %get3A_48 = arith.constant 64 : index
    %get3A_49 = tpu.vector_load %arg6[%get3A_48] {strides = array<i32>} : memref<512xi32, #tpu.memory_space<vmem>>, vector<16xi32>,
    %gather3A_50 = tpu.vector_load_idx %arg7[%get3A_49] : memref<128xf32, #tpu.memory_space<vmem>>[vector<16xi32>], vector<16xf32>,
    %swap3A_51 = arith.constant 64 : index
    %swap3A_52 = tpu.vector_load %arg8[%swap3A_51] {strides = array<i32>} : memref<512xf32, #tpu.memory_space<vmem>>, vector<16xf32>,
    tpu.vector_store %arg8[%swap3A_51], %gather3A_50 {strides = array<i32>} : memref<512xf32, #tpu.memory_space<vmem>>, vector<16xf32>,
    %add3A_53 = arith.constant 64 : i32
    %add3A_54 = vector.broadcast %add3A_53 : i32 to vector<16xi32>
    %add3A_55 = arith.addi %get3A_49, %add3A_54 : vector<16xi32>
    %gather3A_56 = tpu.vector_load_idx %arg7[%add3A_55] : memref<128xf32, #tpu.memory_space<vmem>>[vector<16xi32>], vector<16xf32>,
    %swap3A_57 = arith.constant 64 : index
    %swap3A_58 = tpu.vector_load %arg9[%swap3A_57] {strides = array<i32>} : memref<512xf32, #tpu.memory_space<vmem>>, vector<16xf32>,
    tpu.vector_store %arg9[%swap3A_57], %gather3A_56 {strides = array<i32>} : memref<512xf32, #tpu.memory_space<vmem>>, vector<16xf32>,
    %get3A_59 = arith.constant 80 : index
    %get3A_60 = tpu.vector_load %arg6[%get3A_59] {strides = array<i32>} : memref<512xi32, #tpu.memory_space<vmem>>, vector<16xi32>,
    %gather3A_61 = tpu.vector_load_idx %arg7[%get3A_60] : memref<128xf32, #tpu.memory_space<vmem>>[vector<16xi32>], vector<16xf32>,
    %swap3A_62 = arith.constant 80 : index
    %swap3A_63 = tpu.vector_load %arg8[%swap3A_62] {strides = array<i32>} : memref<512xf32, #tpu.memory_space<vmem>>, vector<16xf32>,
    tpu.vector_store %arg8[%swap3A_62], %gather3A_61 {strides = array<i32>} : memref<512xf32, #tpu.memory_space<vmem>>, vector<16xf32>,
    %add3A_64 = arith.constant 64 : i32
    %add3A_65 = vector.broadcast %add3A_64 : i32 to vector<16xi32>
    %add3A_66 = arith.addi %get3A_60, %add3A_65 : vector<16xi32>
    %gather3A_67 = tpu.vector_load_idx %arg7[%add3A_66] : memref<128xf32, #tpu.memory_space<vmem>>[vector<16xi32>], vector<16xf32>,
    %swap3A_68 = arith.constant 80 : index
    %swap3A_69 = tpu.vector_load %arg9[%swap3A_68] {strides = array<i32>} : memref<512xf32, #tpu.memory_space<vmem>>, vector<16xf32>,
    tpu.vector_store %arg9[%swap3A_68], %gather3A_67 {strides = array<i32>} : memref<512xf32, #tpu.memory_space<vmem>>, vector<16xf32>,
    %get3A_70 = arith.constant 96 : index
    %get3A_71 = tpu.vector_load %arg6[%get3A_70] {strides = array<i32>} : memref<512xi32, #tpu.memory_space<vmem>>, vector<16xi32>,
    %gather3A_72 = tpu.vector_load_idx %arg7[%get3A_71] : memref<128xf32, #tpu.memory_space<vmem>>[vector<16xi32>], vector<16xf32>,
    %swap3A_73 = arith.constant 96 : index
    %swap3A_74 = tpu.vector_load %arg8[%swap3A_73] {strides = array<i32>} : memref<512xf32, #tpu.memory_space<vmem>>, vector<16xf32>,
    tpu.vector_store %arg8[%swap3A_73], %gather3A_72 {strides = array<i32>} : memref<512xf32, #tpu.memory_space<vmem>>, vector<16xf32>,
    %add3A_75 = arith.constant 64 : i32
    %add3A_76 = vector.broadcast %add3A_75 : i32 to vector<16xi32>
    %add3A_77 = arith.addi %get3A_71, %add3A_76 : vector<16xi32>
    %gather3A_78 = tpu.vector_load_idx %arg7[%add3A_77] : memref<128xf32, #tpu.memory_space<vmem>>[vector<16xi32>], vector<16xf32>,
    %swap3A_79 = arith.constant 96 : index
    %swap3A_80 = tpu.vector_load %arg9[%swap3A_79] {strides = array<i32>} : memref<512xf32, #tpu.memory_space<vmem>>, vector<16xf32>,
    tpu.vector_store %arg9[%swap3A_79], %gather3A_78 {strides = array<i32>} : memref<512xf32, #tpu.memory_space<vmem>>, vector<16xf32>,
    %get3A_81 = arith.constant 112 : index
    %get3A_82 = tpu.vector_load %arg6[%get3A_81] {strides = array<i32>} : memref<512xi32, #tpu.memory_space<vmem>>, vector<16xi32>,
    %gather3A_83 = tpu.vector_load_idx %arg7[%get3A_82] : memref<128xf32, #tpu.memory_space<vmem>>[vector<16xi32>], vector<16xf32>,
    %swap3A_84 = arith.constant 112 : index
    %swap3A_85 = tpu.vector_load %arg8[%swap3A_84] {strides = array<i32>} : memref<512xf32, #tpu.memory_space<vmem>>, vector<16xf32>,
    tpu.vector_store %arg8[%swap3A_84], %gather3A_83 {strides = array<i32>} : memref<512xf32, #tpu.memory_space<vmem>>, vector<16xf32>,
    %add3A_86 = arith.constant 64 : i32
    %add3A_87 = vector.broadcast %add3A_86 : i32 to vector<16xi32>
    %add3A_88 = arith.addi %get3A_82, %add3A_87 : vector<16xi32>
    %gather3A_89 = tpu.vector_load_idx %arg7[%add3A_88] : memref<128xf32, #tpu.memory_space<vmem>>[vector<16xi32>], vector<16xf32>,
    %swap3A_90 = arith.constant 112 : index
    %swap3A_91 = tpu.vector_load %arg9[%swap3A_90] {strides = array<i32>} : memref<512xf32, #tpu.memory_space<vmem>>, vector<16xf32>,
    tpu.vector_store %arg9[%swap3A_90], %gather3A_89 {strides = array<i32>} : memref<512xf32, #tpu.memory_space<vmem>>, vector<16xf32>,
    %get3A_92 = arith.constant 128 : index
    %get3A_93 = tpu.vector_load %arg6[%get3A_92] {strides = array<i32>} : memref<512xi32, #tpu.memory_space<vmem>>, vector<16xi32>,
    %gather3A_94 = tpu.vector_load_idx %arg7[%get3A_93] : memref<128xf32, #tpu.memory_space<vmem>>[vector<16xi32>], vector<16xf32>,
    %swap3A_95 = arith.constant 128 : index
    %swap3A_96 = tpu.vector_load %arg8[%swap3A_95] {strides = array<i32>} : memref<512xf32, #tpu.memory_space<vmem>>, vector<16xf32>,
    tpu.vector_store %arg8[%swap3A_95], %gather3A_94 {strides = array<i32>} : memref<512xf32, #tpu.memory_space<vmem>>, vector<16xf32>,
    %add3A_97 = arith.constant 64 : i32
    %add3A_98 = vector.broadcast %add3A_97 : i32 to vector<16xi32>
    %add3A_99 = arith.addi %get3A_93, %add3A_98 : vector<16xi32>
    %gather3A_100 = tpu.vector_load_idx %arg7[%add3A_99] : memref<128xf32, #tpu.memory_space<vmem>>[vector<16xi32>], vector<16xf32>,
    %swap3A_101 = arith.constant 128 : index
    %swap3A_102 = tpu.vector_load %arg9[%swap3A_101] {strides = array<i32>} : memref<512xf32, #tpu.memory_space<vmem>>, vector<16xf32>,
    tpu.vector_store %arg9[%swap3A_101], %gather3A_100 {strides = array<i32>} : memref<512xf32, #tpu.memory_space<vmem>>, vector<16xf32>,
    %get3A_103 = arith.constant 144 : index
    %get3A_104 = tpu.vector_load %arg6[%get3A_103] {strides = array<i32>} : memref<512xi32, #tpu.memory_space<vmem>>, vector<16xi32>,
    %gather3A_105 = tpu.vector_load_idx %arg7[%get3A_104] : memref<128xf32, #tpu.memory_space<vmem>>[vector<16xi32>], vector<16xf32>,
    %swap3A_106 = arith.constant 144 : index
    %swap3A_107 = tpu.vector_load %arg8[%swap3A_106] {strides = array<i32>} : memref<512xf32, #tpu.memory_space<vmem>>, vector<16xf32>,
    tpu.vector_store %arg8[%swap3A_106], %gather3A_105 {strides = array<i32>} : memref<512xf32, #tpu.memory_space<vmem>>, vector<16xf32>,
    %add3A_108 = arith.constant 64 : i32
    %add3A_109 = vector.broadcast %add3A_108 : i32 to vector<16xi32>
    %add3A_110 = arith.addi %get3A_104, %add3A_109 : vector<16xi32>
    %gather3A_111 = tpu.vector_load_idx %arg7[%add3A_110] : memref<128xf32, #tpu.memory_space<vmem>>[vector<16xi32>], vector<16xf32>,
    %swap3A_112 = arith.constant 144 : index
    %swap3A_113 = tpu.vector_load %arg9[%swap3A_112] {strides = array<i32>} : memref<512xf32, #tpu.memory_space<vmem>>, vector<16xf32>,
    tpu.vector_store %arg9[%swap3A_112], %gather3A_111 {strides = array<i32>} : memref<512xf32, #tpu.memory_space<vmem>>, vector<16xf32>,
    %get3A_114 = arith.constant 160 : index
    %get3A_115 = tpu.vector_load %arg6[%get3A_114] {strides = array<i32>} : memref<512xi32, #tpu.memory_space<vmem>>, vector<16xi32>,
    %gather3A_116 = tpu.vector_load_idx %arg7[%get3A_115] : memref<128xf32, #tpu.memory_space<vmem>>[vector<16xi32>], vector<16xf32>,
    %swap3A_117 = arith.constant 160 : index
    %swap3A_118 = tpu.vector_load %arg8[%swap3A_117] {strides = array<i32>} : memref<512xf32, #tpu.memory_space<vmem>>, vector<16xf32>,
    tpu.vector_store %arg8[%swap3A_117], %gather3A_116 {strides = array<i32>} : memref<512xf32, #tpu.memory_space<vmem>>, vector<16xf32>,
    %add3A_119 = arith.constant 64 : i32
    %add3A_120 = vector.broadcast %add3A_119 : i32 to vector<16xi32>
    %add3A_121 = arith.addi %get3A_115, %add3A_120 : vector<16xi32>
    %gather3A_122 = tpu.vector_load_idx %arg7[%add3A_121] : memref<128xf32, #tpu.memory_space<vmem>>[vector<16xi32>], vector<16xf32>,
    %swap3A_123 = arith.constant 160 : index
    %swap3A_124 = tpu.vector_load %arg9[%swap3A_123] {strides = array<i32>} : memref<512xf32, #tpu.memory_space<vmem>>, vector<16xf32>,
    tpu.vector_store %arg9[%swap3A_123], %gather3A_122 {strides = array<i32>} : memref<512xf32, #tpu.memory_space<vmem>>, vector<16xf32>,
    %get3A_125 = arith.constant 176 : index
    %get3A_126 = tpu.vector_load %arg6[%get3A_125] {strides = array<i32>} : memref<512xi32, #tpu.memory_space<vmem>>, vector<16xi32>,
    %gather3A_127 = tpu.vector_load_idx %arg7[%get3A_126] : memref<128xf32, #tpu.memory_space<vmem>>[vector<16xi32>], vector<16xf32>,
    %swap3A_128 = arith.constant 176 : index
    %swap3A_129 = tpu.vector_load %arg8[%swap3A_128] {strides = array<i32>} : memref<512xf32, #tpu.memory_space<vmem>>, vector<16xf32>,
    tpu.vector_store %arg8[%swap3A_128], %gather3A_127 {strides = array<i32>} : memref<512xf32, #tpu.memory_space<vmem>>, vector<16xf32>,
    %add3A_130 = arith.constant 64 : i32
    %add3A_131 = vector.broadcast %add3A_130 : i32 to vector<16xi32>
    %add3A_132 = arith.addi %get3A_126, %add3A_131 : vector<16xi32>
    %gather3A_133 = tpu.vector_load_idx %arg7[%add3A_132] : memref<128xf32, #tpu.memory_space<vmem>>[vector<16xi32>], vector<16xf32>,
    %swap3A_134 = arith.constant 176 : index
    %swap3A_135 = tpu.vector_load %arg9[%swap3A_134] {strides = array<i32>} : memref<512xf32, #tpu.memory_space<vmem>>, vector<16xf32>,
    tpu.vector_store %arg9[%swap3A_134], %gather3A_133 {strides = array<i32>} : memref<512xf32, #tpu.memory_space<vmem>>, vector<16xf32>,
    %get3A_136 = arith.constant 192 : index
    %get3A_137 = tpu.vector_load %arg6[%get3A_136] {strides = array<i32>} : memref<512xi32, #tpu.memory_space<vmem>>, vector<16xi32>,
    %gather3A_138 = tpu.vector_load_idx %arg7[%get3A_137] : memref<128xf32, #tpu.memory_space<vmem>>[vector<16xi32>], vector<16xf32>,
    %swap3A_139 = arith.constant 192 : index
    %swap3A_140 = tpu.vector_load %arg8[%swap3A_139] {strides = array<i32>} : memref<512xf32, #tpu.memory_space<vmem>>, vector<16xf32>,
    tpu.vector_store %arg8[%swap3A_139], %gather3A_138 {strides = array<i32>} : memref<512xf32, #tpu.memory_space<vmem>>, vector<16xf32>,
    %add3A_141 = arith.constant 64 : i32
    %add3A_142 = vector.broadcast %add3A_141 : i32 to vector<16xi32>
    %add3A_143 = arith.addi %get3A_137, %add3A_142 : vector<16xi32>
    %gather3A_144 = tpu.vector_load_idx %arg7[%add3A_143] : memref<128xf32, #tpu.memory_space<vmem>>[vector<16xi32>], vector<16xf32>,
    %swap3A_145 = arith.constant 192 : index
    %swap3A_146 = tpu.vector_load %arg9[%swap3A_145] {strides = array<i32>} : memref<512xf32, #tpu.memory_space<vmem>>, vector<16xf32>,
    tpu.vector_store %arg9[%swap3A_145], %gather3A_144 {strides = array<i32>} : memref<512xf32, #tpu.memory_space<vmem>>, vector<16xf32>,
    %get3A_147 = arith.constant 208 : index
    %get3A_148 = tpu.vector_load %arg6[%get3A_147] {strides = array<i32>} : memref<512xi32, #tpu.memory_space<vmem>>, vector<16xi32>,
    %gather3A_149 = tpu.vector_load_idx %arg7[%get3A_148] : memref<128xf32, #tpu.memory_space<vmem>>[vector<16xi32>], vector<16xf32>,
    %swap3A_150 = arith.constant 208 : index
    %swap3A_151 = tpu.vector_load %arg8[%swap3A_150] {strides = array<i32>} : memref<512xf32, #tpu.memory_space<vmem>>, vector<16xf32>,
    tpu.vector_store %arg8[%swap3A_150], %gather3A_149 {strides = array<i32>} : memref<512xf32, #tpu.memory_space<vmem>>, vector<16xf32>,
    %add3A_152 = arith.constant 64 : i32
    %add3A_153 = vector.broadcast %add3A_152 : i32 to vector<16xi32>
    %add3A_154 = arith.addi %get3A_148, %add3A_153 : vector<16xi32>
    %gather3A_155 = tpu.vector_load_idx %arg7[%add3A_154] : memref<128xf32, #tpu.memory_space<vmem>>[vector<16xi32>], vector<16xf32>,
    %swap3A_156 = arith.constant 208 : index
    %swap3A_157 = tpu.vector_load %arg9[%swap3A_156] {strides = array<i32>} : memref<512xf32, #tpu.memory_space<vmem>>, vector<16xf32>,
    tpu.vector_store %arg9[%swap3A_156], %gather3A_155 {strides = array<i32>} : memref<512xf32, #tpu.memory_space<vmem>>, vector<16xf32>,
    %get3A_158 = arith.constant 224 : index
    %get3A_159 = tpu.vector_load %arg6[%get3A_158] {strides = array<i32>} : memref<512xi32, #tpu.memory_space<vmem>>, vector<16xi32>,
    %gather3A_160 = tpu.vector_load_idx %arg7[%get3A_159] : memref<128xf32, #tpu.memory_space<vmem>>[vector<16xi32>], vector<16xf32>,
    %swap3A_161 = arith.constant 224 : index
    %swap3A_162 = tpu.vector_load %arg8[%swap3A_161] {strides = array<i32>} : memref<512xf32, #tpu.memory_space<vmem>>, vector<16xf32>,
    tpu.vector_store %arg8[%swap3A_161], %gather3A_160 {strides = array<i32>} : memref<512xf32, #tpu.memory_space<vmem>>, vector<16xf32>,
    %add3A_163 = arith.constant 64 : i32
    %add3A_164 = vector.broadcast %add3A_163 : i32 to vector<16xi32>
    %add3A_165 = arith.addi %get3A_159, %add3A_164 : vector<16xi32>
    %gather3A_166 = tpu.vector_load_idx %arg7[%add3A_165] : memref<128xf32, #tpu.memory_space<vmem>>[vector<16xi32>], vector<16xf32>,
    %swap3A_167 = arith.constant 224 : index
    %swap3A_168 = tpu.vector_load %arg9[%swap3A_167] {strides = array<i32>} : memref<512xf32, #tpu.memory_space<vmem>>, vector<16xf32>,
    tpu.vector_store %arg9[%swap3A_167], %gather3A_166 {strides = array<i32>} : memref<512xf32, #tpu.memory_space<vmem>>, vector<16xf32>,
    %get3A_169 = arith.constant 240 : index
    %get3A_170 = tpu.vector_load %arg6[%get3A_169] {strides = array<i32>} : memref<512xi32, #tpu.memory_space<vmem>>, vector<16xi32>,
    %gather3A_171 = tpu.vector_load_idx %arg7[%get3A_170] : memref<128xf32, #tpu.memory_space<vmem>>[vector<16xi32>], vector<16xf32>,
    %swap3A_172 = arith.constant 240 : index
    %swap3A_173 = tpu.vector_load %arg8[%swap3A_172] {strides = array<i32>} : memref<512xf32, #tpu.memory_space<vmem>>, vector<16xf32>,
    tpu.vector_store %arg8[%swap3A_172], %gather3A_171 {strides = array<i32>} : memref<512xf32, #tpu.memory_space<vmem>>, vector<16xf32>,
    %add3A_174 = arith.constant 64 : i32
    %add3A_175 = vector.broadcast %add3A_174 : i32 to vector<16xi32>
    %add3A_176 = arith.addi %get3A_170, %add3A_175 : vector<16xi32>
    %gather3A_177 = tpu.vector_load_idx %arg7[%add3A_176] : memref<128xf32, #tpu.memory_space<vmem>>[vector<16xi32>], vector<16xf32>,
    %swap3A_178 = arith.constant 240 : index
    %swap3A_179 = tpu.vector_load %arg9[%swap3A_178] {strides = array<i32>} : memref<512xf32, #tpu.memory_space<vmem>>, vector<16xf32>,
    tpu.vector_store %arg9[%swap3A_178], %gather3A_177 {strides = array<i32>} : memref<512xf32, #tpu.memory_space<vmem>>, vector<16xf32>,
    %get3A_180 = arith.constant 256 : index
    %get3A_181 = tpu.vector_load %arg6[%get3A_180] {strides = array<i32>} : memref<512xi32, #tpu.memory_space<vmem>>, vector<16xi32>,
    %gather3A_182 = tpu.vector_load_idx %arg7[%get3A_181] : memref<128xf32, #tpu.memory_space<vmem>>[vector<16xi32>], vector<16xf32>,
    %swap3A_183 = arith.constant 256 : index
    %swap3A_184 = tpu.vector_load %arg8[%swap3A_183] {strides = array<i32>} : memref<512xf32, #tpu.memory_space<vmem>>, vector<16xf32>,
    tpu.vector_store %arg8[%swap3A_183], %gather3A_182 {strides = array<i32>} : memref<512xf32, #tpu.memory_space<vmem>>, vector<16xf32>,
    %add3A_185 = arith.constant 64 : i32
    %add3A_186 = vector.broadcast %add3A_185 : i32 to vector<16xi32>
    %add3A_187 = arith.addi %get3A_181, %add3A_186 : vector<16xi32>
    %gather3A_188 = tpu.vector_load_idx %arg7[%add3A_187] : memref<128xf32, #tpu.memory_space<vmem>>[vector<16xi32>], vector<16xf32>,
    %swap3A_189 = arith.constant 256 : index
    %swap3A_190 = tpu.vector_load %arg9[%swap3A_189] {strides = array<i32>} : memref<512xf32, #tpu.memory_space<vmem>>, vector<16xf32>,
    tpu.vector_store %arg9[%swap3A_189], %gather3A_188 {strides = array<i32>} : memref<512xf32, #tpu.memory_space<vmem>>, vector<16xf32>,
    %get3A_191 = arith.constant 272 : index
    %get3A_192 = tpu.vector_load %arg6[%get3A_191] {strides = array<i32>} : memref<512xi32, #tpu.memory_space<vmem>>, vector<16xi32>,
    %gather3A_193 = tpu.vector_load_idx %arg7[%get3A_192] : memref<128xf32, #tpu.memory_space<vmem>>[vector<16xi32>], vector<16xf32>,
    %swap3A_194 = arith.constant 272 : index
    %swap3A_195 = tpu.vector_load %arg8[%swap3A_194] {strides = array<i32>} : memref<512xf32, #tpu.memory_space<vmem>>, vector<16xf32>,
    tpu.vector_store %arg8[%swap3A_194], %gather3A_193 {strides = array<i32>} : memref<512xf32, #tpu.memory_space<vmem>>, vector<16xf32>,
    %add3A_196 = arith.constant 64 : i32
    %add3A_197 = vector.broadcast %add3A_196 : i32 to vector<16xi32>
    %add3A_198 = arith.addi %get3A_192, %add3A_197 : vector<16xi32>
    %gather3A_199 = tpu.vector_load_idx %arg7[%add3A_198] : memref<128xf32, #tpu.memory_space<vmem>>[vector<16xi32>], vector<16xf32>,
    %swap3A_200 = arith.constant 272 : index
    %swap3A_201 = tpu.vector_load %arg9[%swap3A_200] {strides = array<i32>} : memref<512xf32, #tpu.memory_space<vmem>>, vector<16xf32>,
    tpu.vector_store %arg9[%swap3A_200], %gather3A_199 {strides = array<i32>} : memref<512xf32, #tpu.memory_space<vmem>>, vector<16xf32>,
    %get3A_202 = arith.constant 288 : index
    %get3A_203 = tpu.vector_load %arg6[%get3A_202] {strides = array<i32>} : memref<512xi32, #tpu.memory_space<vmem>>, vector<16xi32>,
    %gather3A_204 = tpu.vector_load_idx %arg7[%get3A_203] : memref<128xf32, #tpu.memory_space<vmem>>[vector<16xi32>], vector<16xf32>,
    %swap3A_205 = arith.constant 288 : index
    %swap3A_206 = tpu.vector_load %arg8[%swap3A_205] {strides = array<i32>} : memref<512xf32, #tpu.memory_space<vmem>>, vector<16xf32>,
    tpu.vector_store %arg8[%swap3A_205], %gather3A_204 {strides = array<i32>} : memref<512xf32, #tpu.memory_space<vmem>>, vector<16xf32>,
    %add3A_207 = arith.constant 64 : i32
    %add3A_208 = vector.broadcast %add3A_207 : i32 to vector<16xi32>
    %add3A_209 = arith.addi %get3A_203, %add3A_208 : vector<16xi32>
    %gather3A_210 = tpu.vector_load_idx %arg7[%add3A_209] : memref<128xf32, #tpu.memory_space<vmem>>[vector<16xi32>], vector<16xf32>,
    %swap3A_211 = arith.constant 288 : index
    %swap3A_212 = tpu.vector_load %arg9[%swap3A_211] {strides = array<i32>} : memref<512xf32, #tpu.memory_space<vmem>>, vector<16xf32>,
    tpu.vector_store %arg9[%swap3A_211], %gather3A_210 {strides = array<i32>} : memref<512xf32, #tpu.memory_space<vmem>>, vector<16xf32>,
    %get3A_213 = arith.constant 304 : index
    %get3A_214 = tpu.vector_load %arg6[%get3A_213] {strides = array<i32>} : memref<512xi32, #tpu.memory_space<vmem>>, vector<16xi32>,
    %gather3A_215 = tpu.vector_load_idx %arg7[%get3A_214] : memref<128xf32, #tpu.memory_space<vmem>>[vector<16xi32>], vector<16xf32>,
    %swap3A_216 = arith.constant 304 : index
    %swap3A_217 = tpu.vector_load %arg8[%swap3A_216] {strides = array<i32>} : memref<512xf32, #tpu.memory_space<vmem>>, vector<16xf32>,
    tpu.vector_store %arg8[%swap3A_216], %gather3A_215 {strides = array<i32>} : memref<512xf32, #tpu.memory_space<vmem>>, vector<16xf32>,
    %add3A_218 = arith.constant 64 : i32
    %add3A_219 = vector.broadcast %add3A_218 : i32 to vector<16xi32>
    %add3A_220 = arith.addi %get3A_214, %add3A_219 : vector<16xi32>
    %gather3A_221 = tpu.vector_load_idx %arg7[%add3A_220] : memref<128xf32, #tpu.memory_space<vmem>>[vector<16xi32>], vector<16xf32>,
    %swap3A_222 = arith.constant 304 : index
    %swap3A_223 = tpu.vector_load %arg9[%swap3A_222] {strides = array<i32>} : memref<512xf32, #tpu.memory_space<vmem>>, vector<16xf32>,
    tpu.vector_store %arg9[%swap3A_222], %gather3A_221 {strides = array<i32>} : memref<512xf32, #tpu.memory_space<vmem>>, vector<16xf32>,
    %get3A_224 = arith.constant 320 : index
    %get3A_225 = tpu.vector_load %arg6[%get3A_224] {strides = array<i32>} : memref<512xi32, #tpu.memory_space<vmem>>, vector<16xi32>,
    %gather3A_226 = tpu.vector_load_idx %arg7[%get3A_225] : memref<128xf32, #tpu.memory_space<vmem>>[vector<16xi32>], vector<16xf32>,
    %swap3A_227 = arith.constant 320 : index
    %swap3A_228 = tpu.vector_load %arg8[%swap3A_227] {strides = array<i32>} : memref<512xf32, #tpu.memory_space<vmem>>, vector<16xf32>,
    tpu.vector_store %arg8[%swap3A_227], %gather3A_226 {strides = array<i32>} : memref<512xf32, #tpu.memory_space<vmem>>, vector<16xf32>,
    %add3A_229 = arith.constant 64 : i32
    %add3A_230 = vector.broadcast %add3A_229 : i32 to vector<16xi32>
    %add3A_231 = arith.addi %get3A_225, %add3A_230 : vector<16xi32>
    %gather3A_232 = tpu.vector_load_idx %arg7[%add3A_231] : memref<128xf32, #tpu.memory_space<vmem>>[vector<16xi32>], vector<16xf32>,
    %swap3A_233 = arith.constant 320 : index
    %swap3A_234 = tpu.vector_load %arg9[%swap3A_233] {strides = array<i32>} : memref<512xf32, #tpu.memory_space<vmem>>, vector<16xf32>,
    tpu.vector_store %arg9[%swap3A_233], %gather3A_232 {strides = array<i32>} : memref<512xf32, #tpu.memory_space<vmem>>, vector<16xf32>,
    %get3A_235 = arith.constant 336 : index
    %get3A_236 = tpu.vector_load %arg6[%get3A_235] {strides = array<i32>} : memref<512xi32, #tpu.memory_space<vmem>>, vector<16xi32>,
    %gather3A_237 = tpu.vector_load_idx %arg7[%get3A_236] : memref<128xf32, #tpu.memory_space<vmem>>[vector<16xi32>], vector<16xf32>,
    %swap3A_238 = arith.constant 336 : index
    %swap3A_239 = tpu.vector_load %arg8[%swap3A_238] {strides = array<i32>} : memref<512xf32, #tpu.memory_space<vmem>>, vector<16xf32>,
    tpu.vector_store %arg8[%swap3A_238], %gather3A_237 {strides = array<i32>} : memref<512xf32, #tpu.memory_space<vmem>>, vector<16xf32>,
    %add3A_240 = arith.constant 64 : i32
    %add3A_241 = vector.broadcast %add3A_240 : i32 to vector<16xi32>
    %add3A_242 = arith.addi %get3A_236, %add3A_241 : vector<16xi32>
    %gather3A_243 = tpu.vector_load_idx %arg7[%add3A_242] : memref<128xf32, #tpu.memory_space<vmem>>[vector<16xi32>], vector<16xf32>,
    %swap3A_244 = arith.constant 336 : index
    %swap3A_245 = tpu.vector_load %arg9[%swap3A_244] {strides = array<i32>} : memref<512xf32, #tpu.memory_space<vmem>>, vector<16xf32>,
    tpu.vector_store %arg9[%swap3A_244], %gather3A_243 {strides = array<i32>} : memref<512xf32, #tpu.memory_space<vmem>>, vector<16xf32>,
    %get3A_246 = arith.constant 352 : index
    %get3A_247 = tpu.vector_load %arg6[%get3A_246] {strides = array<i32>} : memref<512xi32, #tpu.memory_space<vmem>>, vector<16xi32>,
    %gather3A_248 = tpu.vector_load_idx %arg7[%get3A_247] : memref<128xf32, #tpu.memory_space<vmem>>[vector<16xi32>], vector<16xf32>,
    %swap3A_249 = arith.constant 352 : index
    %swap3A_250 = tpu.vector_load %arg8[%swap3A_249] {strides = array<i32>} : memref<512xf32, #tpu.memory_space<vmem>>, vector<16xf32>,
    tpu.vector_store %arg8[%swap3A_249], %gather3A_248 {strides = array<i32>} : memref<512xf32, #tpu.memory_space<vmem>>, vector<16xf32>,
    %add3A_251 = arith.constant 64 : i32
    %add3A_252 = vector.broadcast %add3A_251 : i32 to vector<16xi32>
    %add3A_253 = arith.addi %get3A_247, %add3A_252 : vector<16xi32>
    %gather3A_254 = tpu.vector_load_idx %arg7[%add3A_253] : memref<128xf32, #tpu.memory_space<vmem>>[vector<16xi32>], vector<16xf32>,
    %swap3A_255 = arith.constant 352 : index
    %swap3A_256 = tpu.vector_load %arg9[%swap3A_255] {strides = array<i32>} : memref<512xf32, #tpu.memory_space<vmem>>, vector<16xf32>,
    tpu.vector_store %arg9[%swap3A_255], %gather3A_254 {strides = array<i32>} : memref<512xf32, #tpu.memory_space<vmem>>, vector<16xf32>,
    %get3A_257 = arith.constant 368 : index
    %get3A_258 = tpu.vector_load %arg6[%get3A_257] {strides = array<i32>} : memref<512xi32, #tpu.memory_space<vmem>>, vector<16xi32>,
    %gather3A_259 = tpu.vector_load_idx %arg7[%get3A_258] : memref<128xf32, #tpu.memory_space<vmem>>[vector<16xi32>], vector<16xf32>,
    %swap3A_260 = arith.constant 368 : index
    %swap3A_261 = tpu.vector_load %arg8[%swap3A_260] {strides = array<i32>} : memref<512xf32, #tpu.memory_space<vmem>>, vector<16xf32>,
    tpu.vector_store %arg8[%swap3A_260], %gather3A_259 {strides = array<i32>} : memref<512xf32, #tpu.memory_space<vmem>>, vector<16xf32>,
    %add3A_262 = arith.constant 64 : i32
    %add3A_263 = vector.broadcast %add3A_262 : i32 to vector<16xi32>
    %add3A_264 = arith.addi %get3A_258, %add3A_263 : vector<16xi32>
    %gather3A_265 = tpu.vector_load_idx %arg7[%add3A_264] : memref<128xf32, #tpu.memory_space<vmem>>[vector<16xi32>], vector<16xf32>,
    %swap3A_266 = arith.constant 368 : index
    %swap3A_267 = tpu.vector_load %arg9[%swap3A_266] {strides = array<i32>} : memref<512xf32, #tpu.memory_space<vmem>>, vector<16xf32>,
    tpu.vector_store %arg9[%swap3A_266], %gather3A_265 {strides = array<i32>} : memref<512xf32, #tpu.memory_space<vmem>>, vector<16xf32>,
    %get3A_268 = arith.constant 384 : index
    %get3A_269 = tpu.vector_load %arg6[%get3A_268] {strides = array<i32>} : memref<512xi32, #tpu.memory_space<vmem>>, vector<16xi32>,
    %gather3A_270 = tpu.vector_load_idx %arg7[%get3A_269] : memref<128xf32, #tpu.memory_space<vmem>>[vector<16xi32>], vector<16xf32>,
    %swap3A_271 = arith.constant 384 : index
    %swap3A_272 = tpu.vector_load %arg8[%swap3A_271] {strides = array<i32>} : memref<512xf32, #tpu.memory_space<vmem>>, vector<16xf32>,
    tpu.vector_store %arg8[%swap3A_271], %gather3A_270 {strides = array<i32>} : memref<512xf32, #tpu.memory_space<vmem>>, vector<16xf32>,
    %add3A_273 = arith.constant 64 : i32
    %add3A_274 = vector.broadcast %add3A_273 : i32 to vector<16xi32>
    %add3A_275 = arith.addi %get3A_269, %add3A_274 : vector<16xi32>
    %gather3A_276 = tpu.vector_load_idx %arg7[%add3A_275] : memref<128xf32, #tpu.memory_space<vmem>>[vector<16xi32>], vector<16xf32>,
    %swap3A_277 = arith.constant 384 : index
    %swap3A_278 = tpu.vector_load %arg9[%swap3A_277] {strides = array<i32>} : memref<512xf32, #tpu.memory_space<vmem>>, vector<16xf32>,
    tpu.vector_store %arg9[%swap3A_277], %gather3A_276 {strides = array<i32>} : memref<512xf32, #tpu.memory_space<vmem>>, vector<16xf32>,
    %get3A_279 = arith.constant 400 : index
    %get3A_280 = tpu.vector_load %arg6[%get3A_279] {strides = array<i32>} : memref<512xi32, #tpu.memory_space<vmem>>, vector<16xi32>,
    %gather3A_281 = tpu.vector_load_idx %arg7[%get3A_280] : memref<128xf32, #tpu.memory_space<vmem>>[vector<16xi32>], vector<16xf32>,
    %swap3A_282 = arith.constant 400 : index
    %swap3A_283 = tpu.vector_load %arg8[%swap3A_282] {strides = array<i32>} : memref<512xf32, #tpu.memory_space<vmem>>, vector<16xf32>,
    tpu.vector_store %arg8[%swap3A_282], %gather3A_281 {strides = array<i32>} : memref<512xf32, #tpu.memory_space<vmem>>, vector<16xf32>,
    %add3A_284 = arith.constant 64 : i32
    %add3A_285 = vector.broadcast %add3A_284 : i32 to vector<16xi32>
    %add3A_286 = arith.addi %get3A_280, %add3A_285 : vector<16xi32>
    %gather3A_287 = tpu.vector_load_idx %arg7[%add3A_286] : memref<128xf32, #tpu.memory_space<vmem>>[vector<16xi32>], vector<16xf32>,
    %swap3A_288 = arith.constant 400 : index
    %swap3A_289 = tpu.vector_load %arg9[%swap3A_288] {strides = array<i32>} : memref<512xf32, #tpu.memory_space<vmem>>, vector<16xf32>,
    tpu.vector_store %arg9[%swap3A_288], %gather3A_287 {strides = array<i32>} : memref<512xf32, #tpu.memory_space<vmem>>, vector<16xf32>,
    %get3A_290 = arith.constant 416 : index
    %get3A_291 = tpu.vector_load %arg6[%get3A_290] {strides = array<i32>} : memref<512xi32, #tpu.memory_space<vmem>>, vector<16xi32>,
    %gather3A_292 = tpu.vector_load_idx %arg7[%get3A_291] : memref<128xf32, #tpu.memory_space<vmem>>[vector<16xi32>], vector<16xf32>,
    %swap3A_293 = arith.constant 416 : index
    %swap3A_294 = tpu.vector_load %arg8[%swap3A_293] {strides = array<i32>} : memref<512xf32, #tpu.memory_space<vmem>>, vector<16xf32>,
    tpu.vector_store %arg8[%swap3A_293], %gather3A_292 {strides = array<i32>} : memref<512xf32, #tpu.memory_space<vmem>>, vector<16xf32>,
    %add3A_295 = arith.constant 64 : i32
    %add3A_296 = vector.broadcast %add3A_295 : i32 to vector<16xi32>
    %add3A_297 = arith.addi %get3A_291, %add3A_296 : vector<16xi32>
    %gather3A_298 = tpu.vector_load_idx %arg7[%add3A_297] : memref<128xf32, #tpu.memory_space<vmem>>[vector<16xi32>], vector<16xf32>,
    %swap3A_299 = arith.constant 416 : index
    %swap3A_300 = tpu.vector_load %arg9[%swap3A_299] {strides = array<i32>} : memref<512xf32, #tpu.memory_space<vmem>>, vector<16xf32>,
    tpu.vector_store %arg9[%swap3A_299], %gather3A_298 {strides = array<i32>} : memref<512xf32, #tpu.memory_space<vmem>>, vector<16xf32>,
    %get3A_301 = arith.constant 432 : index
    %get3A_302 = tpu.vector_load %arg6[%get3A_301] {strides = array<i32>} : memref<512xi32, #tpu.memory_space<vmem>>, vector<16xi32>,
    %gather3A_303 = tpu.vector_load_idx %arg7[%get3A_302] : memref<128xf32, #tpu.memory_space<vmem>>[vector<16xi32>], vector<16xf32>,
    %swap3A_304 = arith.constant 432 : index
    %swap3A_305 = tpu.vector_load %arg8[%swap3A_304] {strides = array<i32>} : memref<512xf32, #tpu.memory_space<vmem>>, vector<16xf32>,
    tpu.vector_store %arg8[%swap3A_304], %gather3A_303 {strides = array<i32>} : memref<512xf32, #tpu.memory_space<vmem>>, vector<16xf32>,
    %add3A_306 = arith.constant 64 : i32
    %add3A_307 = vector.broadcast %add3A_306 : i32 to vector<16xi32>
    %add3A_308 = arith.addi %get3A_302, %add3A_307 : vector<16xi32>
    %gather3A_309 = tpu.vector_load_idx %arg7[%add3A_308] : memref<128xf32, #tpu.memory_space<vmem>>[vector<16xi32>], vector<16xf32>,
    %swap3A_310 = arith.constant 432 : index
    %swap3A_311 = tpu.vector_load %arg9[%swap3A_310] {strides = array<i32>} : memref<512xf32, #tpu.memory_space<vmem>>, vector<16xf32>,
    tpu.vector_store %arg9[%swap3A_310], %gather3A_309 {strides = array<i32>} : memref<512xf32, #tpu.memory_space<vmem>>, vector<16xf32>,
    %get3A_312 = arith.constant 448 : index
    %get3A_313 = tpu.vector_load %arg6[%get3A_312] {strides = array<i32>} : memref<512xi32, #tpu.memory_space<vmem>>, vector<16xi32>,
    %gather3A_314 = tpu.vector_load_idx %arg7[%get3A_313] : memref<128xf32, #tpu.memory_space<vmem>>[vector<16xi32>], vector<16xf32>,
    %swap3A_315 = arith.constant 448 : index
    %swap3A_316 = tpu.vector_load %arg8[%swap3A_315] {strides = array<i32>} : memref<512xf32, #tpu.memory_space<vmem>>, vector<16xf32>,
    tpu.vector_store %arg8[%swap3A_315], %gather3A_314 {strides = array<i32>} : memref<512xf32, #tpu.memory_space<vmem>>, vector<16xf32>,
    %add3A_317 = arith.constant 64 : i32
    %add3A_318 = vector.broadcast %add3A_317 : i32 to vector<16xi32>
    %add3A_319 = arith.addi %get3A_313, %add3A_318 : vector<16xi32>
    %gather3A_320 = tpu.vector_load_idx %arg7[%add3A_319] : memref<128xf32, #tpu.memory_space<vmem>>[vector<16xi32>], vector<16xf32>,
    %swap3A_321 = arith.constant 448 : index
    %swap3A_322 = tpu.vector_load %arg9[%swap3A_321] {strides = array<i32>} : memref<512xf32, #tpu.memory_space<vmem>>, vector<16xf32>,
    tpu.vector_store %arg9[%swap3A_321], %gather3A_320 {strides = array<i32>} : memref<512xf32, #tpu.memory_space<vmem>>, vector<16xf32>,
    %get3A_323 = arith.constant 464 : index
    %get3A_324 = tpu.vector_load %arg6[%get3A_323] {strides = array<i32>} : memref<512xi32, #tpu.memory_space<vmem>>, vector<16xi32>,
    %gather3A_325 = tpu.vector_load_idx %arg7[%get3A_324] : memref<128xf32, #tpu.memory_space<vmem>>[vector<16xi32>], vector<16xf32>,
    %swap3A_326 = arith.constant 464 : index
    %swap3A_327 = tpu.vector_load %arg8[%swap3A_326] {strides = array<i32>} : memref<512xf32, #tpu.memory_space<vmem>>, vector<16xf32>,
    tpu.vector_store %arg8[%swap3A_326], %gather3A_325 {strides = array<i32>} : memref<512xf32, #tpu.memory_space<vmem>>, vector<16xf32>,
    %add3A_328 = arith.constant 64 : i32
    %add3A_329 = vector.broadcast %add3A_328 : i32 to vector<16xi32>
    %add3A_330 = arith.addi %get3A_324, %add3A_329 : vector<16xi32>
    %gather3A_331 = tpu.vector_load_idx %arg7[%add3A_330] : memref<128xf32, #tpu.memory_space<vmem>>[vector<16xi32>], vector<16xf32>,
    %swap3A_332 = arith.constant 464 : index
    %swap3A_333 = tpu.vector_load %arg9[%swap3A_332] {strides = array<i32>} : memref<512xf32, #tpu.memory_space<vmem>>, vector<16xf32>,
    tpu.vector_store %arg9[%swap3A_332], %gather3A_331 {strides = array<i32>} : memref<512xf32, #tpu.memory_space<vmem>>, vector<16xf32>,
    %get3A_334 = arith.constant 480 : index
    %get3A_335 = tpu.vector_load %arg6[%get3A_334] {strides = array<i32>} : memref<512xi32, #tpu.memory_space<vmem>>, vector<16xi32>,
    %gather3A_336 = tpu.vector_load_idx %arg7[%get3A_335] : memref<128xf32, #tpu.memory_space<vmem>>[vector<16xi32>], vector<16xf32>,
    %swap3A_337 = arith.constant 480 : index
    %swap3A_338 = tpu.vector_load %arg8[%swap3A_337] {strides = array<i32>} : memref<512xf32, #tpu.memory_space<vmem>>, vector<16xf32>,
    tpu.vector_store %arg8[%swap3A_337], %gather3A_336 {strides = array<i32>} : memref<512xf32, #tpu.memory_space<vmem>>, vector<16xf32>,
    %add3A_339 = arith.constant 64 : i32
    %add3A_340 = vector.broadcast %add3A_339 : i32 to vector<16xi32>
    %add3A_341 = arith.addi %get3A_335, %add3A_340 : vector<16xi32>
    %gather3A_342 = tpu.vector_load_idx %arg7[%add3A_341] : memref<128xf32, #tpu.memory_space<vmem>>[vector<16xi32>], vector<16xf32>,
    %swap3A_343 = arith.constant 480 : index
    %swap3A_344 = tpu.vector_load %arg9[%swap3A_343] {strides = array<i32>} : memref<512xf32, #tpu.memory_space<vmem>>, vector<16xf32>,
    tpu.vector_store %arg9[%swap3A_343], %gather3A_342 {strides = array<i32>} : memref<512xf32, #tpu.memory_space<vmem>>, vector<16xf32>,
    %get3A_345 = arith.constant 496 : index
    %get3A_346 = tpu.vector_load %arg6[%get3A_345] {strides = array<i32>} : memref<512xi32, #tpu.memory_space<vmem>>, vector<16xi32>,
    %gather3A_347 = tpu.vector_load_idx %arg7[%get3A_346] : memref<128xf32, #tpu.memory_space<vmem>>[vector<16xi32>], vector<16xf32>,
    %swap3A_348 = arith.constant 496 : index
    %swap3A_349 = tpu.vector_load %arg8[%swap3A_348] {strides = array<i32>} : memref<512xf32, #tpu.memory_space<vmem>>, vector<16xf32>,
    tpu.vector_store %arg8[%swap3A_348], %gather3A_347 {strides = array<i32>} : memref<512xf32, #tpu.memory_space<vmem>>, vector<16xf32>,
    %add3A_350 = arith.constant 64 : i32
    %add3A_351 = vector.broadcast %add3A_350 : i32 to vector<16xi32>
    %add3A_352 = arith.addi %get3A_346, %add3A_351 : vector<16xi32>
    %gather3A_353 = tpu.vector_load_idx %arg7[%add3A_352] : memref<128xf32, #tpu.memory_space<vmem>>[vector<16xi32>], vector<16xf32>,
    %swap3A_354 = arith.constant 496 : index
    %swap3A_355 = tpu.vector_load %arg9[%swap3A_354] {strides = array<i32>} : memref<512xf32, #tpu.memory_space<vmem>>, vector<16xf32>,
    tpu.vector_store %arg9[%swap3A_354], %gather3A_353 {strides = array<i32>} : memref<512xf32, #tpu.memory_space<vmem>>, vector<16xf32>,
    %dma_start3A_356 = tpu.memref_slice %arg4[%mul3A_2] : memref<8192xf32, #tpu.memory_space<hbm>> -> memref<512xf32, #tpu.memory_space<hbm>>
    %dma_start3A_357 = tpu.memref_slice %arg4[%mul3A_2] : memref<8192xf32, #tpu.memory_space<hbm>> -> memref<512xf32, #tpu.memory_space<hbm>>
    tpu.enqueue_dma source(%arg8 : memref<512xf32, #tpu.memory_space<vmem>>) target(%dma_start3A_357 : memref<512xf32, #tpu.memory_space<hbm>>) target_semaphore(%arg10 : memref<!tpu.dma_semaphore, #tpu.memory_space<semaphore_mem>>)
    %dma_start3A_358 = tpu.memref_slice %arg5[%mul3A_2] : memref<8192xf32, #tpu.memory_space<hbm>> -> memref<512xf32, #tpu.memory_space<hbm>>
    %dma_start3A_359 = tpu.memref_slice %arg5[%mul3A_2] : memref<8192xf32, #tpu.memory_space<hbm>> -> memref<512xf32, #tpu.memory_space<hbm>>
    tpu.enqueue_dma source(%arg9 : memref<512xf32, #tpu.memory_space<vmem>>) target(%dma_start3A_359 : memref<512xf32, #tpu.memory_space<hbm>>) target_semaphore(%arg11 : memref<!tpu.dma_semaphore, #tpu.memory_space<semaphore_mem>>)
    %dma_wait3A_360 = tpu.memref_slice %arg4[%mul3A_2] : memref<8192xf32, #tpu.memory_space<hbm>> -> memref<512xf32, #tpu.memory_space<hbm>>
    %dma_wait3A_361 = tpu.memref_slice %arg4[%mul3A_2] : memref<8192xf32, #tpu.memory_space<hbm>> -> memref<512xf32, #tpu.memory_space<hbm>>
    tpu.wait_dma2 semaphore(%arg10 : memref<!tpu.dma_semaphore, #tpu.memory_space<semaphore_mem>>) src(%arg8 : memref<512xf32, #tpu.memory_space<vmem>>) dst(%dma_wait3A_361 : memref<512xf32, #tpu.memory_space<hbm>>)
    %dma_wait3A_362 = tpu.memref_slice %arg5[%mul3A_2] : memref<8192xf32, #tpu.memory_space<hbm>> -> memref<512xf32, #tpu.memory_space<hbm>>
    %dma_wait3A_363 = tpu.memref_slice %arg5[%mul3A_2] : memref<8192xf32, #tpu.memory_space<hbm>> -> memref<512xf32, #tpu.memory_space<hbm>>
    tpu.wait_dma2 semaphore(%arg11 : memref<!tpu.dma_semaphore, #tpu.memory_space<semaphore_mem>>) src(%arg9 : memref<512xf32, #tpu.memory_space<vmem>>) dst(%dma_wait3A_363 : memref<512xf32, #tpu.memory_space<hbm>>)
    return
  }
}

module attributes {stable_mosaic.version = 14 : i64} {
  func.func @_head_kernel(%arg0: i32, %arg1: memref<1x1x1024xi32, #tpu.memory_space<vmem>>, %arg2: memref<1x128xf32, #tpu.memory_space<vmem>>, %arg3: memref<1x128xf32, #tpu.memory_space<vmem>>, %arg4: memref<1024x1024xf32, #tpu.memory_space<vmem>>, %arg5: memref<1024x1024xf32, #tpu.memory_space<vmem>>, %arg6: memref<1024x1024xf32, #tpu.memory_space<vmem>>) attributes {dimension_semantics = [#tpu.dimension_semantics<arbitrary>], iteration_bounds = array<i64: 8>, scalar_prefetch = 0 : i64, scratch_operands = 0 : i64, tpu.core_type = #tpu.core_type<tc>, window_params = [{transform_indices = @transform_0, window_bounds = array<i64: 1, 1, 1024>}, {pipeline_mode = #tpu.pipeline_mode<synchronous>, transform_indices = @transform_1, window_bounds = array<i64: 1, 128>}, {pipeline_mode = #tpu.pipeline_mode<synchronous>, transform_indices = @transform_2, window_bounds = array<i64: 1, 128>}, {transform_indices = @transform_3, window_bounds = array<i64: 1024, 1024>}, {transform_indices = @transform_4, window_bounds = array<i64: 1024, 1024>}, {transform_indices = @transform_5, window_bounds = array<i64: 1024, 1024>}]} {
    %get3A = arith.constant 0 : index
    %get3A_0 = arith.constant 0 : index
    %get3A_1 = arith.constant 0 : index
    %get3A_2 = vector.load %arg1[%get3A, %get3A_0, %get3A_1] : memref<1x1x1024xi32, #tpu.memory_space<vmem>>, vector<1x1x1024xi32>
    %get3A_3 = vector.shape_cast %get3A_2 : vector<1x1x1024xi32> to vector<1024xi32>
    %iota3A = tpu.iota {dimensions = array<i32: 1>} : vector<1024x128xi32>
    %broadcast_in_dim3A = vector.shape_cast %get3A_3 : vector<1024xi32> to vector<1024x1xi32>
    %eq3A = vector.broadcast %broadcast_in_dim3A : vector<1024x1xi32> to vector<1024x128xi32>
    %eq3A_4 = arith.cmpi eq, %eq3A, %iota3A : vector<1024x128xi32>
    %get3A_5 = arith.constant 0 : index
    %get3A_6 = arith.constant 0 : index
    %get3A_7 = vector.load %arg2[%get3A_5, %get3A_6] : memref<1x128xf32, #tpu.memory_space<vmem>>, vector<1x128xf32>
    %get3A_8 = vector.shape_cast %get3A_7 : vector<1x128xf32> to vector<128xf32>
    %broadcast_in_dim3A_9 = vector.shape_cast %get3A_8 : vector<128xf32> to vector<1x128xf32>
    %jit3A = arith.constant 0.000000e+00 : f32
    %broadcast_in_dim3A_10 = vector.shape_cast %broadcast_in_dim3A_9 : vector<1x128xf32> to vector<1x128xf32>
    %broadcast_in_dim3A_11 = vector.broadcast %broadcast_in_dim3A_10 : vector<1x128xf32> to vector<1024x128xf32>
    %broadcast_in_dim3A_12 = vector.broadcast %jit3A : f32 to vector<1024x128xf32>
    %select_n3A = arith.select %eq3A_4, %broadcast_in_dim3A_11, %broadcast_in_dim3A_12 : vector<1024x128xi1>, vector<1024x128xf32>
    %reduce_sum3A = arith.constant dense<0.000000e+00> : vector<1024xf32>
    %reduce_sum3A_13 = vector.multi_reduction <add>, %select_n3A, %reduce_sum3A [1] : vector<1024x128xf32> to vector<1024xf32>
    %get3A_14 = arith.constant 0 : index
    %get3A_15 = arith.constant 0 : index
    %get3A_16 = vector.load %arg3[%get3A_14, %get3A_15] : memref<1x128xf32, #tpu.memory_space<vmem>>, vector<1x128xf32>
    %get3A_17 = vector.shape_cast %get3A_16 : vector<1x128xf32> to vector<128xf32>
    %broadcast_in_dim3A_18 = vector.shape_cast %get3A_17 : vector<128xf32> to vector<1x128xf32>
    %jit3A_19 = arith.constant 0.000000e+00 : f32
    %broadcast_in_dim3A_20 = vector.shape_cast %broadcast_in_dim3A_18 : vector<1x128xf32> to vector<1x128xf32>
    %broadcast_in_dim3A_21 = vector.broadcast %broadcast_in_dim3A_20 : vector<1x128xf32> to vector<1024x128xf32>
    %broadcast_in_dim3A_22 = vector.broadcast %jit3A_19 : f32 to vector<1024x128xf32>
    %select_n3A_23 = arith.select %eq3A_4, %broadcast_in_dim3A_21, %broadcast_in_dim3A_22 : vector<1024x128xi1>, vector<1024x128xf32>
    %reduce_sum3A_24 = arith.constant dense<0.000000e+00> : vector<1024xf32>
    %reduce_sum3A_25 = vector.multi_reduction <add>, %select_n3A_23, %reduce_sum3A_24 [1] : vector<1024x128xf32> to vector<1024xf32>
    %broadcast_in_dim3A_26 = vector.shape_cast %reduce_sum3A_13 : vector<1024xf32> to vector<1024x1xf32>
    %get3A_27 = arith.constant 0 : index
    %get3A_28 = arith.constant 0 : index
    %get3A_29 = vector.load %arg4[%get3A_27, %get3A_28] : memref<1024x1024xf32, #tpu.memory_space<vmem>>, vector<1024x1024xf32>
    %mul3A = vector.broadcast %broadcast_in_dim3A_26 : vector<1024x1xf32> to vector<1024x1024xf32>
    %mul3A_30 = arith.mulf %mul3A, %get3A_29 : vector<1024x1024xf32>
    %broadcast_in_dim3A_31 = vector.shape_cast %reduce_sum3A_25 : vector<1024xf32> to vector<1024x1xf32>
    %get3A_32 = arith.constant 0 : index
    %get3A_33 = arith.constant 0 : index
    %get3A_34 = vector.load %arg5[%get3A_32, %get3A_33] : memref<1024x1024xf32, #tpu.memory_space<vmem>>, vector<1024x1024xf32>
    %mul3A_35 = vector.broadcast %broadcast_in_dim3A_31 : vector<1024x1xf32> to vector<1024x1024xf32>
    %mul3A_36 = arith.mulf %mul3A_35, %get3A_34 : vector<1024x1024xf32>
    %add3A = arith.addf %mul3A_30, %mul3A_36 : vector<1024x1024xf32>
    %swap3A = arith.constant 0 : index
    %swap3A_37 = arith.constant 0 : index
    %swap3A_38 = vector.load %arg6[%swap3A, %swap3A_37] : memref<1024x1024xf32, #tpu.memory_space<vmem>>, vector<1024x1024xf32>
    tpu.vector_store %arg6[%swap3A, %swap3A_37], %add3A {strides = array<i32>} : memref<1024x1024xf32, #tpu.memory_space<vmem>>, vector<1024x1024xf32>,
    return
  }
  func.func @transform_0(%arg0: i32) -> (i32, i32, i32) {
    %c0_i32 = arith.constant 0 : i32
    %c0_i32_0 = arith.constant 0 : i32
    %c0_i32_1 = arith.constant 0 : i32
    return %arg0, %c0_i32, %c0_i32_0 : i32, i32, i32
  }
  func.func @transform_1(%arg0: i32) -> (i32, i32) {
    %c0_i32 = arith.constant 0 : i32
    %c0_i32_0 = arith.constant 0 : i32
    %c0_i32_1 = arith.constant 0 : i32
    return %c0_i32, %c0_i32_0 : i32, i32
  }
  func.func @transform_2(%arg0: i32) -> (i32, i32) {
    %c0_i32 = arith.constant 0 : i32
    %c0_i32_0 = arith.constant 0 : i32
    %c0_i32_1 = arith.constant 0 : i32
    return %c0_i32, %c0_i32_0 : i32, i32
  }
  func.func @transform_3(%arg0: i32) -> (i32, i32) {
    %c0_i32 = arith.constant 0 : i32
    %c0_i32_0 = arith.constant 0 : i32
    return %arg0, %c0_i32 : i32, i32
  }
  func.func @transform_4(%arg0: i32) -> (i32, i32) {
    %c0_i32 = arith.constant 0 : i32
    %c0_i32_0 = arith.constant 0 : i32
    return %arg0, %c0_i32 : i32, i32
  }
  func.func @transform_5(%arg0: i32) -> (i32, i32) {
    %c0_i32 = arith.constant 0 : i32
    %c0_i32_0 = arith.constant 0 : i32
    return %arg0, %c0_i32 : i32, i32
  }
}

module attributes {stable_mosaic.version = 14 : i64} {
  func.func @_tail_kernel(%arg0: i32, %arg1: memref<16384x1024xf32, #tpu.memory_space<any>>, %arg2: memref<1x1x1024xf32, #tpu.memory_space<vmem>>, %arg3: memref<1x1x1024xf32, #tpu.memory_space<vmem>>, %arg4: memref<1024x1024xf32, #tpu.memory_space<vmem>>, %arg5: memref<1024x1024xf32, #tpu.memory_space<vmem>>, %arg6: memref<1024x1024xf32, #tpu.memory_space<vmem>>) attributes {dimension_semantics = [#tpu.dimension_semantics<arbitrary>], iteration_bounds = array<i64: 8>, scalar_prefetch = 0 : i64, scratch_operands = 0 : i64, tpu.core_type = #tpu.core_type<tc>, window_params = [{}, {transform_indices = @transform_1, window_bounds = array<i64: 1, 1, 1024>}, {transform_indices = @transform_2, window_bounds = array<i64: 1, 1, 1024>}, {transform_indices = @transform_3, window_bounds = array<i64: 1024, 1024>}, {transform_indices = @transform_4, window_bounds = array<i64: 1024, 1024>}, {transform_indices = @transform_5, window_bounds = array<i64: 1024, 1024>}]} {
    %get3A = arith.constant 0 : index
    %get3A_0 = arith.constant 0 : index
    %get3A_1 = arith.constant 0 : index
    %get3A_2 = vector.load %arg2[%get3A, %get3A_0, %get3A_1] : memref<1x1x1024xf32, #tpu.memory_space<vmem>>, vector<1x1x1024xf32>
    %get3A_3 = vector.shape_cast %get3A_2 : vector<1x1x1024xf32> to vector<1024xf32>
    %get3A_4 = arith.constant 0 : index
    %get3A_5 = arith.constant 0 : index
    %get3A_6 = arith.constant 0 : index
    %get3A_7 = vector.load %arg3[%get3A_4, %get3A_5, %get3A_6] : memref<1x1x1024xf32, #tpu.memory_space<vmem>>, vector<1x1x1024xf32>
    %get3A_8 = vector.shape_cast %get3A_7 : vector<1x1x1024xf32> to vector<1024xf32>
    %broadcast_in_dim3A = vector.shape_cast %get3A_3 : vector<1024xf32> to vector<1024x1xf32>
    %get3A_9 = arith.constant 0 : index
    %get3A_10 = arith.constant 0 : index
    %get3A_11 = vector.load %arg4[%get3A_9, %get3A_10] : memref<1024x1024xf32, #tpu.memory_space<vmem>>, vector<1024x1024xf32>
    %mul3A = vector.broadcast %broadcast_in_dim3A : vector<1024x1xf32> to vector<1024x1024xf32>
    %mul3A_12 = arith.mulf %mul3A, %get3A_11 : vector<1024x1024xf32>
    %broadcast_in_dim3A_13 = vector.shape_cast %get3A_8 : vector<1024xf32> to vector<1024x1xf32>
    %get3A_14 = arith.constant 0 : index
    %get3A_15 = arith.constant 0 : index
    %get3A_16 = vector.load %arg5[%get3A_14, %get3A_15] : memref<1024x1024xf32, #tpu.memory_space<vmem>>, vector<1024x1024xf32>
    %mul3A_17 = vector.broadcast %broadcast_in_dim3A_13 : vector<1024x1xf32> to vector<1024x1024xf32>
    %mul3A_18 = arith.mulf %mul3A_17, %get3A_16 : vector<1024x1024xf32>
    %add3A = arith.addf %mul3A_12, %mul3A_18 : vector<1024x1024xf32>
    %swap3A = arith.constant 0 : index
    %swap3A_19 = arith.constant 0 : index
    %swap3A_20 = vector.load %arg6[%swap3A, %swap3A_19] : memref<1024x1024xf32, #tpu.memory_space<vmem>>, vector<1024x1024xf32>
    tpu.vector_store %arg6[%swap3A, %swap3A_19], %add3A {strides = array<i32>} : memref<1024x1024xf32, #tpu.memory_space<vmem>>, vector<1024x1024xf32>,
    return
  }
  func.func @transform_1(%arg0: i32) -> (i32, i32, i32) {
    %c0_i32 = arith.constant 0 : i32
    %c0_i32_0 = arith.constant 0 : i32
    %c0_i32_1 = arith.constant 0 : i32
    return %arg0, %c0_i32, %c0_i32_0 : i32, i32, i32
  }
  func.func @transform_2(%arg0: i32) -> (i32, i32, i32) {
    %c0_i32 = arith.constant 0 : i32
    %c0_i32_0 = arith.constant 0 : i32
    %c0_i32_1 = arith.constant 0 : i32
    return %arg0, %c0_i32, %c0_i32_0 : i32, i32, i32
  }
  func.func @transform_3(%arg0: i32) -> (i32, i32) {
    %add3A = arith.constant 8 : i32
    %add3A_0 = arith.addi %add3A, %arg0 : i32
    %c0_i32 = arith.constant 0 : i32
    %c0_i32_1 = arith.constant 0 : i32
    return %add3A_0, %c0_i32 : i32, i32
  }
  func.func @transform_4(%arg0: i32) -> (i32, i32) {
    %add3A = arith.constant 8 : i32
    %add3A_0 = arith.addi %add3A, %arg0 : i32
    %c0_i32 = arith.constant 0 : i32
    %c0_i32_1 = arith.constant 0 : i32
    return %add3A_0, %c0_i32 : i32, i32
  }
  func.func @transform_5(%arg0: i32) -> (i32, i32) {
    %add3A = arith.constant 8 : i32
    %add3A_0 = arith.addi %add3A, %arg0 : i32
    %c0_i32 = arith.constant 0 : i32
    %c0_i32_1 = arith.constant 0 : i32
    return %add3A_0, %c0_i32 : i32, i32
  }
}

</mosaic_0001>

<sc_bundles>
// kernel: kernel.5.cloned.1.call-start
scs
__scs_entry_jumppad:
0x0: {  	(pc) =	sbr.rel $0x88, $3  }
0x1: {  	(tag) =	ssettag $0x0;
	lr =	simm.s32 $0x1  }
0x2: {  	[smem:$0x3F9D] =	sst lr;
	_ =	strace $0xD0000000  }
0x3: {  	_ = 	snop  }
0x4: {  	_ = 	snop  }
0x5: {  	_ = 	snop  }
0x6: {  	_ = 	snop  }
0x7: {  	_ = 	snop  }
__scs_overlays_trampoline_lowered:
0x8: {  	[smem:$0x3FAC] =	sst s0  }
0x9: {  	[smem:$0x3FAD] =	sst s1  }
0xa: {  	[smem:$0x3FAE] =	sst s2  }
0xb: {  	[smem:$0x3FAF] =	sst s3  }
0xc: {  	[smem:$0x3FB0] =	sst s4  }
0xd: {  	[smem:$0x3FB1] =	sst s5  }
0xe: {  	[smem:$0x3FB2] =	sst s6  }
0xf: {  	[smem:$0x3FB3] =	sst s7  }
0x10: {  	[smem:$0x3FB4] =	sst s8  }
0x11: {  	[smem:$0x3FB5] =	sst s9;
	s0 =	simm.s32 @!p0 $0x0  }
0x12: {  	s1 =	sld [smem:$0x3F9B];
	s0 =	simm.s32 @p0 $0x1  }
0x13: {  	[smem:$0x3FB6] =	sst s0;
	s0 =	simm.s32 @!p1 $0x0  }
0x14: {  	s2 =	sld [smem:$0x3F9A];
	s0 =	simm.s32 @p1 $0x1  }
0x15: {  	[smem:$0x3FB7] =	sst s0;
	s0 =	simm.s32 @!p2 $0x0  }
0x16: {  	s3 =	sld [smem:$0x3FDB];
	s0 =	simm.s32 @p2 $0x1  }
0x17: {  	s4 =	simm.s32 $0x1BF5;
	[smem:$0x3FB9] =	sst s0  }
0x18: {  	s0 =	sld [smem:$0x3F9C];
	_ =	swait.ge [sflag:s4], $0x0  }
0x19: {  	s7 =	sld [smem:$0x3F9D]  }
0x1a: {  	s8 =	sadd.s32 $0xFFFFE003, lr  }
0x1b: {  	s9 =	sadd.s32 $0xFFFFFEF7, lr;
	s5 =	simm.s32 $0xFFFFFFFF;
	p2 =	slt.u32 s8, $0xFFFFF086  }
0x1c: {  	p1 =	slt.u32 s9, $0xF7A;
	s5 =	simm.s32 @!p2 $0x0  }
0x1d: {  	s5 =	simm.s32 @p1 $0x1;
	p0 =	seq.s32 s7, s2  }
0x1e: {  	s7 =	smul.u32 @!p0 $0xF7A, s2;
	p2 =	seq.s32 @!p0 s5, $0x0  }
0x1f: {  	s9 =	smul.u32 $0xF7A, s1;
	s8 =	simm.s32 @!p0 $0x1BF5;
	p2 =	por !p2, p0  }
0x20: {  	[sflag:s8] =	ssyncset.s32 @!p0 $0xFFFFF086;
	s6 =	sadd.s32 @!p0 s3, s7;
	s7 =	simm.s32 @!p0 $0x108  }
0x21: {  	s3 =	sadd.s32 s3, s9;
	s6 =	sadd.s32 @!p0 $0x88, s6;
	s7 =	simm.s32 @p2 $0x1082  }
0x22: {  	[simem:s7], [sflag:s8] =	dma.local @!p0 [hbm:s6], $0xF7A  }
0x23: {  	s9 =	sor.u32 $0xD0000000, s2;
	s6 =	simm.s32 $0x108;
	_ =	swait.ge @!p0 [sflag:s8], $0x0  }
0x24: {  	s3 =	sadd.s32 $0x88, s3;
	s6 =	simm.s32 @!p1 $0x1082;
	[sflag:s4] =	ssyncset.s32 $0xFFFFF086  }
0x25: {  	[simem:s6], [sflag:s4] =	dma.local [hbm:s3], $0xF7A  }
0x26: {  	[smem:$0x3F9D] =	sst s1;
	(tag) =	ssettag s2;
	_ =	strace s9  }
0x27: {  	s1 =	sld [smem:$0x3FAD]  }
0x28: {  	s2 =	sld [smem:$0x3FAE]  }
0x29: {  	s4 =	sld [smem:$0x3FB0]  }
0x2a: {  	p0 =	seq.s32 s5, $0x0;
	s5 =	sld [smem:$0x3FB1]  }
0x2b: {  	s6 =	sld [smem:$0x3FB2]  }
0x2c: {  	s7 =	sld [smem:$0x3FB3]  }
0x2d: {  	s3 =	simm.s32 $0x108;
	s8 =	sld [smem:$0x3FB4]  }
0x2e: {  	s3 =	simm.s32 @!p0 $0x1082;
	s9 =	sld [smem:$0x3FB5]  }
0x2f: {  	lr =	sadd.s32 s0, s3;
	s0 =	sld [smem:$0x3FAC]  }
0x30: {  	s3 =	sld [smem:$0x3FAF]  }
0x31: {  	[smem:$0x3FB8] =	sst s10  }
0x32: {  	s10 =	sld [smem:$0x3FB6];
	_ =	sdelay $0x3  }
0x33: {  	p0 =	seq.s32 s10, $0x1;
	s10 =	sld [smem:$0x3FB8];
	_ =	sdelay $0x3  }
0x34: {  	[smem:$0x3FB8] =	sst s10  }
0x35: {  	s10 =	sld [smem:$0x3FB7];
	_ =	sdelay $0x3  }
0x36: {  	p1 =	seq.s32 s10, $0x1;
	s10 =	sld [smem:$0x3FB8];
	_ =	sdelay $0x3  }
0x37: {  	[smem:$0x3FB8] =	sst s10  }
0x38: {  	s10 =	sld [smem:$0x3FB9]  }
0x39: {  	_ = 	snop;
	(pc) =	sbr.ind lr, $3  }
0x3a: {  	_ = 	snop  }
0x3b: {  	_ = 	snop  }
0x3c: {  	p2 =	seq.s32 s10, $0x1;
	s10 =	sld [smem:$0x3FB8]  }
0x3d: {  	_ =	shalt  }
0x3e: {  	_ =	shalt  }
0x3f: {  	_ =	shalt  }
0x40: {  	_ =	shalt  }
0x41: {  	_ =	shalt  }
0x42: {  	_ =	shalt  }
0x43: {  	_ =	shalt  }
0x44: {  	_ =	shalt  }
0x45: {  	_ =	shalt  }
0x46: {  	_ =	shalt  }
0x47: {  	_ =	shalt  }
0x48: {  	_ =	shalt  }
0x49: {  	_ =	shalt  }
0x4a: {  	_ =	shalt  }
0x4b: {  	_ =	shalt  }
0x4c: {  	_ =	shalt  }
0x4d: {  	_ =	shalt  }
0x4e: {  	_ =	shalt  }
0x4f: {  	_ =	shalt  }
0x50: {  	_ =	shalt  }
0x51: {  	_ =	shalt  }
0x52: {  	_ =	shalt  }
0x53: {  	_ =	shalt  }
0x54: {  	_ =	shalt  }
0x55: {  	_ =	shalt  }
0x56: {  	_ =	shalt  }
0x57: {  	_ =	shalt  }
0x58: {  	_ =	shalt  }
0x59: {  	_ =	shalt  }
0x5a: {  	_ =	shalt  }
0x5b: {  	_ =	shalt  }
0x5c: {  	_ =	shalt  }
0x5d: {  	_ =	shalt  }
0x5e: {  	_ =	shalt  }
0x5f: {  	_ =	shalt  }
0x60: {  	_ =	shalt  }
0x61: {  	_ =	shalt  }
0x62: {  	_ =	shalt  }
0x63: {  	_ =	shalt  }
0x64: {  	_ =	shalt  }
0x65: {  	_ =	shalt  }
0x66: {  	_ =	shalt  }
0x67: {  	_ =	shalt  }
0x68: {  	_ =	shalt  }
0x69: {  	_ =	shalt  }
0x6a: {  	_ =	shalt  }
0x6b: {  	_ =	shalt  }
0x6c: {  	_ =	shalt  }
0x6d: {  	_ =	shalt  }
0x6e: {  	_ =	shalt  }
0x6f: {  	_ =	shalt  }
0x70: {  	_ =	shalt  }
0x71: {  	_ =	shalt  }
0x72: {  	_ =	shalt  }
0x73: {  	_ =	shalt  }
0x74: {  	_ =	shalt  }
0x75: {  	_ =	shalt  }
0x76: {  	_ =	shalt  }
0x77: {  	_ =	shalt  }
0x78: {  	_ =	shalt  }
0x79: {  	_ =	shalt  }
0x7a: {  	_ =	shalt  }
0x7b: {  	_ =	shalt  }
0x7c: {  	_ =	shalt  }
0x7d: {  	_ =	shalt  }
0x7e: {  	_ =	shalt  }
0x7f: {  	_ =	shalt  }
0x80: {  	_ =	shalt  }
0x81: {  	_ =	shalt  }
0x82: {  	_ =	shalt  }
0x83: {  	_ =	shalt  }
0x84: {  	_ =	shalt  }
0x85: {  	_ =	shalt  }
0x86: {  	_ =	shalt  }
0x87: {  	_ =	shalt  }
.Lfunc_end0:
.L_simem_size_0:
called_computation_lowered:
.L_overlay_start_0:
0x88: {  	s0 =	sld [smem:$0x3FD9]  }
0x89: {  	s1 =	sld [smem:$0x3FFE];
	_ =	sdelay $0x3  }
0x8a: {  	s0 =	sadd.s32 s1, s0  }
0x8b: {  	[smem:$0x3FC4] =	sst s0  }
0x8c: {  	_ = 	snop  }
0x8d: {  	s0 =	sld [smem:$0x3FC7];
	(tm) =	ssettm $0x1  }
0x8e: {  	s16 =	sld [smem:$0x3FFB];
	_ =	sdelay $0x3  }
0x8f: {  	_ =	strace s16  }
0x90: {  	s1 =	sld [smem:$0x3FFC];
	_ =	sdelay $0x3  }
0x91: {  	_ =	strace s1  }
0x92: {  	s1 =	sld [smem:$0x3FFD];
	_ =	sdelay $0x3  }
0x93: {  	_ =	strace s1  }
0x94: {  	_ =	strace $0x8FFFFFFF  }
0x95: {  	s17 =	sld [smem:$0x3FDB];
	_ =	sdelay $0x1  }
0x96: {  	s2 =	simm.s32 $_scs_section_size  }
0x97: {  	s3 =	simm.s32 $_size__tile_overlayer_lowered;
	s4 =	simm.s32 $_tile_overlayer_lowered  }
0x98: {  	s20 =	simm.s32 $0x1BFF;
	s19 =	sshll.u32 s4, $0x1;
	s1 =	sadd.s32 s2, s17  }
0x99: {  	s5 =	simm.s32 $0x0;
	s18 =	sshll.u32 s3, $0x1;
	s3 =	sadd.s32 s19, s1  }
0x9a: {  	[timem:s5], [sflag:s20] =	dma.local [hbm:s3], s18  }
0x9b: {  	_ =	swait.ge [sflag:s20], s18  }
0x9c: {  	s2 =	ssub.s32 $0x0, s18;
	[sflag:s20] =	ssyncset.done $0x0  }
0x9d: {  	[sflag:s20] =	ssyncadd.s32 s2;
	_ =	sdelay $0x1  }
0x9e: {  	s21 =	simm.s32 $0x1B8B  }
0x9f: {  	_ =	swait.ge [sflag:s21], $0x1  }
0xa0: {  	[sflag:s21] =	ssyncset.done $0x0  }
0xa1: {  	s23 =	simm.s32 $0x1B8E;
	s22 =	sld [smem:$0x3FFE];
	[sflag:s21] =	ssyncadd.s32 $0xFFFFFFFF  }
0xa2: {  	s24 =	simm.s32 $execute0_lowered;
	[smem:$0x3FD2] =	sst s23  }
0xa3: {  	s3 =	sshll.u32 s24, $0x1;
	_ =	strace $0x80000046;
	[dreg:$0x1] =	wrdreg $0xFFFFFFFF  }
0xa4: {  	s25 =	simm.s32 $_size_execute0_lowered;
	s1 =	sadd.s32 s1, s3;
	[dreg:$0x0] =	wrdreg $0x0  }
0xa5: {  	s3 =	sshll.u32 s25, $0x1;
	[dreg:$0x2] =	wrdreg s1  }
0xa6: {  	[dreg:$0x3] =	wrdreg s3  }
0xa7: {  	[dreg:$0x4] =	wrdreg $0xC0  }
0xa8: {  	_ =	task [dreg:s5], $0x5FFFF  }
0xa9: {  	[dreg:$0x1] =	wrdreg $0xFFFFFFFF  }
0xaa: {  	[dreg:$0x0] =	wrdreg $0x60  }
0xab: {  	[dreg:$0x2] =	wrdreg s0  }
0xac: {  	[dreg:$0x3] =	wrdreg s22  }
0xad: {  	[dreg:$0x4] =	wrdreg $0x9  }
0xae: {  	_ =	task.clear_ibuf [dreg:s5], $0x5FFFF;
	_ =	strace $0x90000046  }
0xaf: {  	s26 =	simm.s32 $0x9;
	_ =	strace $0x80000048  }
0xb0: {  	_ =	swait.ge [sflag:s26], $0x1  }
0xb1: {  	[sflag:s26] =	ssyncadd.s32 $0xFFFFFFFF  }
0xb2: {  	_ =	strace $0x90000048  }
0xb3: {  	_ =	sfence  }
0xb4: {  	s28 =	sld [smem:$0x0];
	_ =	sdelay $0x1  }
0xb5: {  	s29 =	srdreg.scid  }
0xb6: {  	s30 =	sshll.u32 s29, $0xD;
	s31 =	sshrl.u32 s29, $0x2  }
0xb7: {  	s2 =	sand.u32 $0x4000, s30;
	s1 =	sand.u32 $0x1, s29;
	s0 =	sadd.s32 s31, s28  }
0xb8: {  	s1 =	sor.u32 s2, s1;
	s0 =	sshll.u32 s0, $0x11  }
0xb9: {  	s0 =	sor.u32 s0, s1  }
0xba: {  	s0 =	sadd.s32 $0x8F2B, s0  }
0xbb: {  	[sflag:s0] =	ssyncadd.remote.s32 $0x1  }
0xbc: {  	_ =	sfence.sel $0xFFFF  }
0xbd: {  	[dreg:$0x0] =	wrdreg $0xFFFFFFFF;
	(pc) =	sbr.abs _section_cstart, $3  }
0xbe: {  	[dreg:$0x1] =	wrdreg $0xFFFFFFFF  }
0xbf: {  	_ =	task.clear_ibuf [dreg:s5], $0x2FFFF;
	_ =	strace $0x9FFFFFFF  }
0xc0: {  	(tm) =	ssettm $0x7FFFFFFF  }
0xc1: {  	_ =	shalt  }
tec
execute0_lowered:
.L_overlay_start_1:
0x0: {  	(tag) =	ssettag $0x1  }
0x1: {  	s4 =	rddreg [dreg:$0x0];
	s1 =	stileid.u32  }
0x2: {  	s3 =	rddreg [dreg:$0x1];
	s2 =	simm.s32 $0x0;
	s5 =	sshll.u32 s1, $0x6  }
0x3: {  	[smem:$0x7FF] =	sst s2;
	s4 =	sadd.s32 s5, s4  }
0x4: {  	s0 =	rddreg [dreg:$0x2];
	_ =	strace $0x80000047;
	s4 =	sadd.s32 $0x400, s4  }
0x5: {  	[tilespmem:s2], [sflag:$0x1] =	stream.linear.gather [hbm4b:s4+s2], $0x200, $0x38;
	[tilespmem:$0x680] =	vst v63  }
0x6: {  	s7 =	simm.s32 $0x200;
	s29 =	simm.s32 $0x1;
	s28 =	sadd.s32 $0x1200, s3  }
0x7: {  	[tilespmem:s7], [sflag:$0x2] =	stream.linear.gather [hbm4b:s28+s2], $0x80, $0x38;
	[tilespmem:$0x680] =	vst v63  }
0x8: {  	_ =	swait.ge [sflag:s29], $0x200  }
0x9: {  	[sflag:s29] =	ssyncset.done $0x0  }
0xa: {  	s6 =	simm.s32 $0x2;
	[sflag:s29] =	ssyncadd.s32 $0xFFFFFE00  }
0xb: {  	_ =	swait.ge [sflag:s6], $0x80  }
0xc: {  	[sflag:s6] =	ssyncset.done $0x0  }
0xd: {  	[sflag:s6] =	ssyncadd.s32 $0xFFFFFF80  }
0xe: {  	v0 =	vld [tilespmem:$0x0];
	_ =	sdelay $0x7  }
0xf: {  	v1 =	vld.idx.msk [tilespmem:v0+s7+$0x0], $0xffff  }
0x10: {  	v0 =	vadd.s32 $0x40, v0;
	_ =	sdelay $0x2  }
0x11: {  	v2 =	vld [tilespmem:$0x10]  }
0x12: {  	[tilespmem:$0x280] =	vst v1  }
0x13: {  	v0 =	vld.idx.msk [tilespmem:v0+s7+$0x0], $0xffff;
	_ =	sdelay $0x4  }
0x14: {  	[tilespmem:$0x480] =	vst v0  }
0x15: {  	v0 =	vld.idx.msk [tilespmem:v2+s7+$0x0], $0xffff  }
0x16: {  	v63 =	vadd.s32 $0x40, v2;
	_ =	sdelay $0x2  }
0x17: {  	v4 =	vld [tilespmem:$0x20]  }
0x18: {  	[tilespmem:$0x290] =	vst v0  }
0x19: {  	v0 =	vld.idx.msk [tilespmem:v63+s7+$0x0], $0xffff;
	_ =	sdelay $0x4  }
0x1a: {  	[tilespmem:$0x490] =	vst v0  }
0x1b: {  	v0 =	vld.idx.msk [tilespmem:v4+s7+$0x0], $0xffff  }
0x1c: {  	v5 =	vadd.s32 $0x40, v4;
	_ =	sdelay $0x2  }
0x1d: {  	v6 =	vld [tilespmem:$0x30]  }
0x1e: {  	[tilespmem:$0x2A0] =	vst v0  }
0x1f: {  	v0 =	vld.idx.msk [tilespmem:v5+s7+$0x0], $0xffff;
	_ =	sdelay $0x4  }
0x20: {  	[tilespmem:$0x4A0] =	vst v0  }
0x21: {  	v0 =	vld.idx.msk [tilespmem:v6+s7+$0x0], $0xffff  }
0x22: {  	v7 =	vadd.s32 $0x40, v6;
	_ =	sdelay $0x2  }
0x23: {  	v8 =	vld [tilespmem:$0x40]  }
0x24: {  	[tilespmem:$0x2B0] =	vst v0  }
0x25: {  	v0 =	vld.idx.msk [tilespmem:v7+s7+$0x0], $0xffff;
	_ =	sdelay $0x4  }
0x26: {  	[tilespmem:$0x4B0] =	vst v0  }
0x27: {  	v0 =	vld.idx.msk [tilespmem:v8+s7+$0x0], $0xffff  }
0x28: {  	v9 =	vadd.s32 $0x40, v8;
	_ =	sdelay $0x2  }
0x29: {  	v10 =	vld [tilespmem:$0x50]  }
0x2a: {  	[tilespmem:$0x2C0] =	vst v0  }
0x2b: {  	v0 =	vld.idx.msk [tilespmem:v9+s7+$0x0], $0xffff;
	_ =	sdelay $0x4  }
0x2c: {  	[tilespmem:$0x4C0] =	vst v0  }
0x2d: {  	v0 =	vld.idx.msk [tilespmem:v10+s7+$0x0], $0xffff  }
0x2e: {  	v11 =	vadd.s32 $0x40, v10;
	_ =	sdelay $0x2  }
0x2f: {  	v12 =	vld [tilespmem:$0x60]  }
0x30: {  	[tilespmem:$0x2D0] =	vst v0  }
0x31: {  	v0 =	vld.idx.msk [tilespmem:v11+s7+$0x0], $0xffff;
	_ =	sdelay $0x4  }
0x32: {  	[tilespmem:$0x4D0] =	vst v0  }
0x33: {  	v0 =	vld.idx.msk [tilespmem:v12+s7+$0x0], $0xffff  }
0x34: {  	v13 =	vadd.s32 $0x40, v12;
	_ =	sdelay $0x2  }
0x35: {  	v14 =	vld [tilespmem:$0x70]  }
0x36: {  	[tilespmem:$0x2E0] =	vst v0  }
0x37: {  	v0 =	vld.idx.msk [tilespmem:v13+s7+$0x0], $0xffff;
	_ =	sdelay $0x4  }
0x38: {  	[tilespmem:$0x4E0] =	vst v0  }
0x39: {  	v0 =	vld.idx.msk [tilespmem:v14+s7+$0x0], $0xffff  }
0x3a: {  	v15 =	vadd.s32 $0x40, v14;
	_ =	sdelay $0x2  }
0x3b: {  	v16 =	vld [tilespmem:$0x80]  }
0x3c: {  	[tilespmem:$0x2F0] =	vst v0  }
0x3d: {  	v0 =	vld.idx.msk [tilespmem:v15+s7+$0x0], $0xffff;
	_ =	sdelay $0x4  }
0x3e: {  	[tilespmem:$0x4F0] =	vst v0  }
0x3f: {  	v0 =	vld.idx.msk [tilespmem:v16+s7+$0x0], $0xffff  }
0x40: {  	v17 =	vadd.s32 $0x40, v16;
	_ =	sdelay $0x2  }
0x41: {  	v18 =	vld [tilespmem:$0x90]  }
0x42: {  	[tilespmem:$0x300] =	vst v0  }
0x43: {  	v0 =	vld.idx.msk [tilespmem:v17+s7+$0x0], $0xffff;
	_ =	sdelay $0x4  }
0x44: {  	[tilespmem:$0x500] =	vst v0  }
0x45: {  	v0 =	vld.idx.msk [tilespmem:v18+s7+$0x0], $0xffff  }
0x46: {  	v19 =	vadd.s32 $0x40, v18;
	_ =	sdelay $0x2  }
0x47: {  	v20 =	vld [tilespmem:$0xA0]  }
0x48: {  	[tilespmem:$0x310] =	vst v0  }
0x49: {  	v0 =	vld.idx.msk [tilespmem:v19+s7+$0x0], $0xffff;
	_ =	sdelay $0x4  }
0x4a: {  	[tilespmem:$0x510] =	vst v0  }
0x4b: {  	v0 =	vld.idx.msk [tilespmem:v20+s7+$0x0], $0xffff  }
0x4c: {  	v21 =	vadd.s32 $0x40, v20;
	_ =	sdelay $0x2  }
0x4d: {  	v22 =	vld [tilespmem:$0xB0]  }
0x4e: {  	[tilespmem:$0x320] =	vst v0  }
0x4f: {  	v0 =	vld.idx.msk [tilespmem:v21+s7+$0x0], $0xffff;
	_ =	sdelay $0x4  }
0x50: {  	[tilespmem:$0x520] =	vst v0  }
0x51: {  	v0 =	vld.idx.msk [tilespmem:v22+s7+$0x0], $0xffff  }
0x52: {  	v23 =	vadd.s32 $0x40, v22;
	_ =	sdelay $0x2  }
0x53: {  	v24 =	vld [tilespmem:$0xC0]  }
0x54: {  	[tilespmem:$0x330] =	vst v0  }
0x55: {  	v0 =	vld.idx.msk [tilespmem:v23+s7+$0x0], $0xffff;
	_ =	sdelay $0x4  }
0x56: {  	[tilespmem:$0x530] =	vst v0  }
0x57: {  	v0 =	vld.idx.msk [tilespmem:v24+s7+$0x0], $0xffff  }
0x58: {  	v25 =	vadd.s32 $0x40, v24;
	_ =	sdelay $0x2  }
0x59: {  	v26 =	vld [tilespmem:$0xD0]  }
0x5a: {  	[tilespmem:$0x340] =	vst v0  }
0x5b: {  	v0 =	vld.idx.msk [tilespmem:v25+s7+$0x0], $0xffff;
	_ =	sdelay $0x4  }
0x5c: {  	[tilespmem:$0x540] =	vst v0  }
0x5d: {  	v0 =	vld.idx.msk [tilespmem:v26+s7+$0x0], $0xffff  }
0x5e: {  	v27 =	vadd.s32 $0x40, v26;
	_ =	sdelay $0x2  }
0x5f: {  	v28 =	vld [tilespmem:$0xE0]  }
0x60: {  	[tilespmem:$0x350] =	vst v0  }
0x61: {  	v0 =	vld.idx.msk [tilespmem:v27+s7+$0x0], $0xffff;
	_ =	sdelay $0x4  }
0x62: {  	[tilespmem:$0x550] =	vst v0  }
0x63: {  	v0 =	vld.idx.msk [tilespmem:v28+s7+$0x0], $0xffff  }
0x64: {  	v29 =	vadd.s32 $0x40, v28;
	_ =	sdelay $0x2  }
0x65: {  	v30 =	vld [tilespmem:$0xF0]  }
0x66: {  	[tilespmem:$0x360] =	vst v0  }
0x67: {  	v0 =	vld.idx.msk [tilespmem:v29+s7+$0x0], $0xffff;
	_ =	sdelay $0x4  }
0x68: {  	[tilespmem:$0x560] =	vst v0  }
0x69: {  	v0 =	vld.idx.msk [tilespmem:v30+s7+$0x0], $0xffff  }
0x6a: {  	v31 =	vadd.s32 $0x40, v30;
	_ =	sdelay $0x2  }
0x6b: {  	v32 =	vld [tilespmem:$0x100]  }
0x6c: {  	[tilespmem:$0x370] =	vst v0  }
0x6d: {  	v0 =	vld.idx.msk [tilespmem:v31+s7+$0x0], $0xffff;
	_ =	sdelay $0x4  }
0x6e: {  	[tilespmem:$0x570] =	vst v0  }
0x6f: {  	v0 =	vld.idx.msk [tilespmem:v32+s7+$0x0], $0xffff  }
0x70: {  	v33 =	vadd.s32 $0x40, v32;
	_ =	sdelay $0x2  }
0x71: {  	v34 =	vld [tilespmem:$0x110]  }
0x72: {  	[tilespmem:$0x380] =	vst v0  }
0x73: {  	v0 =	vld.idx.msk [tilespmem:v33+s7+$0x0], $0xffff;
	_ =	sdelay $0x4  }
0x74: {  	[tilespmem:$0x580] =	vst v0  }
0x75: {  	v0 =	vld.idx.msk [tilespmem:v34+s7+$0x0], $0xffff  }
0x76: {  	v35 =	vadd.s32 $0x40, v34;
	_ =	sdelay $0x2  }
0x77: {  	v36 =	vld [tilespmem:$0x120]  }
0x78: {  	[tilespmem:$0x390] =	vst v0  }
0x79: {  	v0 =	vld.idx.msk [tilespmem:v35+s7+$0x0], $0xffff;
	_ =	sdelay $0x4  }
0x7a: {  	[tilespmem:$0x590] =	vst v0  }
0x7b: {  	v0 =	vld.idx.msk [tilespmem:v36+s7+$0x0], $0xffff  }
0x7c: {  	v37 =	vadd.s32 $0x40, v36;
	_ =	sdelay $0x2  }
0x7d: {  	v38 =	vld [tilespmem:$0x130]  }
0x7e: {  	[tilespmem:$0x3A0] =	vst v0  }
0x7f: {  	v0 =	vld.idx.msk [tilespmem:v37+s7+$0x0], $0xffff;
	_ =	sdelay $0x4  }
0x80: {  	[tilespmem:$0x5A0] =	vst v0  }
0x81: {  	v0 =	vld.idx.msk [tilespmem:v38+s7+$0x0], $0xffff  }
0x82: {  	v39 =	vadd.s32 $0x40, v38;
	_ =	sdelay $0x2  }
0x83: {  	v40 =	vld [tilespmem:$0x140]  }
0x84: {  	[tilespmem:$0x3B0] =	vst v0  }
0x85: {  	v0 =	vld.idx.msk [tilespmem:v39+s7+$0x0], $0xffff;
	_ =	sdelay $0x4  }
0x86: {  	[tilespmem:$0x5B0] =	vst v0  }
0x87: {  	v0 =	vld.idx.msk [tilespmem:v40+s7+$0x0], $0xffff  }
0x88: {  	v41 =	vadd.s32 $0x40, v40;
	_ =	sdelay $0x2  }
0x89: {  	v42 =	vld [tilespmem:$0x150]  }
0x8a: {  	[tilespmem:$0x3C0] =	vst v0  }
0x8b: {  	v0 =	vld.idx.msk [tilespmem:v41+s7+$0x0], $0xffff;
	_ =	sdelay $0x4  }
0x8c: {  	[tilespmem:$0x5C0] =	vst v0  }
0x8d: {  	v0 =	vld.idx.msk [tilespmem:v42+s7+$0x0], $0xffff  }
0x8e: {  	v43 =	vadd.s32 $0x40, v42;
	_ =	sdelay $0x2  }
0x8f: {  	v44 =	vld [tilespmem:$0x160]  }
0x90: {  	[tilespmem:$0x3D0] =	vst v0  }
0x91: {  	v0 =	vld.idx.msk [tilespmem:v43+s7+$0x0], $0xffff;
	_ =	sdelay $0x4  }
0x92: {  	[tilespmem:$0x5D0] =	vst v0  }
0x93: {  	v0 =	vld.idx.msk [tilespmem:v44+s7+$0x0], $0xffff  }
0x94: {  	v45 =	vadd.s32 $0x40, v44;
	_ =	sdelay $0x2  }
0x95: {  	v46 =	vld [tilespmem:$0x170]  }
0x96: {  	[tilespmem:$0x3E0] =	vst v0  }
0x97: {  	v0 =	vld.idx.msk [tilespmem:v45+s7+$0x0], $0xffff;
	_ =	sdelay $0x4  }
0x98: {  	[tilespmem:$0x5E0] =	vst v0  }
0x99: {  	v0 =	vld.idx.msk [tilespmem:v46+s7+$0x0], $0xffff  }
0x9a: {  	v47 =	vadd.s32 $0x40, v46;
	_ =	sdelay $0x2  }
0x9b: {  	v48 =	vld [tilespmem:$0x180]  }
0x9c: {  	[tilespmem:$0x3F0] =	vst v0  }
0x9d: {  	v0 =	vld.idx.msk [tilespmem:v47+s7+$0x0], $0xffff;
	_ =	sdelay $0x4  }
0x9e: {  	[tilespmem:$0x5F0] =	vst v0  }
0x9f: {  	v0 =	vld.idx.msk [tilespmem:v48+s7+$0x0], $0xffff  }
0xa0: {  	v49 =	vadd.s32 $0x40, v48;
	_ =	sdelay $0x2  }
0xa1: {  	v50 =	vld [tilespmem:$0x190]  }
0xa2: {  	[tilespmem:$0x400] =	vst v0  }
0xa3: {  	v0 =	vld.idx.msk [tilespmem:v49+s7+$0x0], $0xffff;
	_ =	sdelay $0x4  }
0xa4: {  	[tilespmem:$0x600] =	vst v0  }
0xa5: {  	v0 =	vld.idx.msk [tilespmem:v50+s7+$0x0], $0xffff  }
0xa6: {  	v51 =	vadd.s32 $0x40, v50;
	_ =	sdelay $0x2  }
0xa7: {  	v52 =	vld [tilespmem:$0x1A0]  }
0xa8: {  	[tilespmem:$0x410] =	vst v0  }
0xa9: {  	v0 =	vld.idx.msk [tilespmem:v51+s7+$0x0], $0xffff;
	_ =	sdelay $0x4  }
0xaa: {  	[tilespmem:$0x610] =	vst v0  }
0xab: {  	v0 =	vld.idx.msk [tilespmem:v52+s7+$0x0], $0xffff  }
0xac: {  	v53 =	vadd.s32 $0x40, v52;
	_ =	sdelay $0x2  }
0xad: {  	v54 =	vld [tilespmem:$0x1B0]  }
0xae: {  	[tilespmem:$0x420] =	vst v0  }
0xaf: {  	v0 =	vld.idx.msk [tilespmem:v53+s7+$0x0], $0xffff;
	_ =	sdelay $0x4  }
0xb0: {  	[tilespmem:$0x620] =	vst v0  }
0xb1: {  	v0 =	vld.idx.msk [tilespmem:v54+s7+$0x0], $0xffff  }
0xb2: {  	v55 =	vadd.s32 $0x40, v54;
	_ =	sdelay $0x2  }
0xb3: {  	v56 =	vld [tilespmem:$0x1C0]  }
0xb4: {  	[tilespmem:$0x430] =	vst v0  }
0xb5: {  	v0 =	vld.idx.msk [tilespmem:v55+s7+$0x0], $0xffff;
	_ =	sdelay $0x4  }
0xb6: {  	[tilespmem:$0x630] =	vst v0  }
0xb7: {  	v0 =	vld.idx.msk [tilespmem:v56+s7+$0x0], $0xffff  }
0xb8: {  	v57 =	vadd.s32 $0x40, v56;
	_ =	sdelay $0x2  }
0xb9: {  	v58 =	vld [tilespmem:$0x1D0]  }
0xba: {  	[tilespmem:$0x440] =	vst v0  }
0xbb: {  	v0 =	vld.idx.msk [tilespmem:v57+s7+$0x0], $0xffff;
	_ =	sdelay $0x4  }
0xbc: {  	[tilespmem:$0x640] =	vst v0  }
0xbd: {  	v0 =	vld.idx.msk [tilespmem:v58+s7+$0x0], $0xffff  }
0xbe: {  	v59 =	vadd.s32 $0x40, v58;
	_ =	sdelay $0x2  }
0xbf: {  	v60 =	vld [tilespmem:$0x1E0]  }
0xc0: {  	[tilespmem:$0x450] =	vst v0  }
0xc1: {  	v0 =	vld.idx.msk [tilespmem:v59+s7+$0x0], $0xffff;
	_ =	sdelay $0x4  }
0xc2: {  	[tilespmem:$0x650] =	vst v0  }
0xc3: {  	v0 =	vld.idx.msk [tilespmem:v60+s7+$0x0], $0xffff  }
0xc4: {  	v61 =	vadd.s32 $0x40, v60;
	_ =	sdelay $0x2  }
0xc5: {  	v62 =	vld [tilespmem:$0x1F0]  }
0xc6: {  	[tilespmem:$0x460] =	vst v0  }
0xc7: {  	v0 =	vld.idx.msk [tilespmem:v61+s7+$0x0], $0xffff;
	_ =	sdelay $0x4  }
0xc8: {  	[tilespmem:$0x660] =	vst v0  }
0xc9: {  	v0 =	vld.idx.msk [tilespmem:v62+s7+$0x0], $0xffff  }
0xca: {  	v63 =	vadd.s32 $0x40, v62;
	_ =	sdelay $0x3  }
0xcb: {  	[tilespmem:$0x470] =	vst v0  }
0xcc: {  	v0 =	vld.idx.msk [tilespmem:v63+s7+$0x0], $0xffff;
	_ =	sdelay $0x3  }
0xcd: {  	s3 =	sadd.s32 s5, s3  }
0xce: {  	s30 =	simm.s32 $0x280;
	s5 =	sadd.s32 $0x1400, s3;
	[tilespmem:$0x670] =	vst v0  }
0xcf: {  	[hbm4b:s5+s2] =	stream.linear.scatter [tilespmem:s30], [sflag:$0x1], $0x200, $0x38;
	[tilespmem:$0x680] =	vst v63  }
0xd0: {  	s31 =	simm.s32 $0x480;
	s3 =	sadd.s32 $0x1800, s3  }
0xd1: {  	[hbm4b:s3+s2] =	stream.linear.scatter [tilespmem:s31], [sflag:$0x2], $0x200, $0x38;
	[tilespmem:$0x680] =	vst v63  }
0xd2: {  	_ =	swait.ge [sflag:s29], $0x200  }
0xd3: {  	[sflag:s29] =	ssyncset.done $0x0  }
0xd4: {  	[sflag:s29] =	ssyncadd.s32 $0xFFFFFE00  }
0xd5: {  	_ =	swait.ge [sflag:s6], $0x200  }
0xd6: {  	[sflag:s6] =	ssyncset.done $0x0  }
0xd7: {  	[sflag:s6] =	ssyncadd.s32 $0xFFFFFE00  }
0xd8: {  	_ =	sfence.sel $0x180000  }
0xd9: {  	[bflag:$0x0] =	sbarrier.arrive $0xFFFF  }
0xda: {  	p0 =	sne.s32 s1, $0x0;
	_ =	strace $0x90000047  }
0xdb: {  	s0 =	sadd.s32 @!p0 $0x100000, s0;
	[bflag:$0x2] =	sbarrier.arrive $0xFFFF  }
0xdc: {  	[sflag:s0] =	ssyncadd.tile.s32 @!p0 $0x1;
	_ =	shalt  }
.Lfunc_end2:
_tile_overlayer_lowered:
.L_overlay_start_2:
0xdd: {  	(tag) =	ssettag $0x2  }
0xde: {  	s0 =	rddreg [dreg:$0x0];
	s2 =	stileid.u32  }
0xdf: {  	s1 =	rddreg [dreg:$0x1];
	p0 =	sne.s32 s2, $0x0  }
0xe0: {  	s3 =	rddreg [dreg:$0x2];
	[bflag:$0x3] =	sbarrier.arrive $0xFFFF;
	s2 =	simm.s32 @!p0 $0x1C03  }
0xe1: {  	[timem:s3], [sflag:s2] =	dma.local @!p0 [hbm:s0], s1  }
0xe2: {  	s0 =	simm.s32 @!p0 $0x3  }
0xe3: {  	_ =	swait.ge @!p0 [sflag:s0], s1  }
0xe4: {  	s1 =	ssub.s32 @!p0 $0x0, s1;
	[sflag:s0] =	ssyncset.done @!p0 $0x0  }
0xe5: {  	[sflag:s0] =	ssyncadd.s32 @!p0 s1  }
0xe6: {  	[bflag:$0x3] =	sbarrier.arrive $0xFFFF  }
0xe7: {  	_ =	shalt  }

</sc_bundles>
